<compile_context>
chip_gen: v7x
topology: tpu7x:2x2x1
jax: 0.10.2.dev20260603
libtpu: 0.0.44.dev20260713+nightly
codegen_flags: <defaults>
</compile_context>

<pallas_src>
import jax
import jax.numpy as jnp
from jax import lax
from jax.experimental import pallas as pl
from jax.experimental.pallas import tpu as pltpu
from jax.experimental.pallas import tpu_sc as plsc

_THRESHOLD = 0.18
_TOPK = 100
_B, _C, _H, _W = 8, 80, 128, 128
_MIN = -2147483648
_CBLK = 80
_NCB = _C // _CBLK
_NW = 16
_CHUNK = (_B * _H * _W) // _NW
_NG = _CHUNK // 16
_NJ = _NG // 16


def _to_key(x):
    b = lax.bitcast_convert_type(x, jnp.int32)
    return jnp.where(b >= 0, b, b ^ jnp.int32(0x7FFFFFFF))


def _nms_kernel(x_ref, out_ref, acc_ref):
    c = pl.program_id(1)
    x = x_ref[0]
    lane = lax.broadcasted_iota(jnp.int32, (_CBLK, _H, _W), 2)
    sub = lax.broadcasted_iota(jnp.int32, (_CBLK, _H, _W), 1)
    ninf = jnp.float32(-jnp.inf)
    sr = jnp.where(lane == 0, ninf, pltpu.roll(x, 1, 2))
    sl = jnp.where(lane == _W - 1, ninf, pltpu.roll(x, _W - 1, 2))
    m1 = jnp.maximum(jnp.maximum(x, sr), sl)
    su = jnp.where(sub == 0, ninf, pltpu.roll(m1, 1, 1))
    sd = jnp.where(sub == _H - 1, ninf, pltpu.roll(m1, _H - 1, 1))
    m2 = jnp.maximum(jnp.maximum(m1, su), sd)
    cand = jnp.max(jnp.where(m2 == x, x, jnp.float32(0.0)), axis=0)

    @pl.when(c == 0)
    def _():
        acc_ref[...] = cand

    @pl.when(c > 0)
    def _():
        acc_ref[...] = jnp.maximum(acc_ref[...], cand)

    @pl.when(c == _NCB - 1)
    def _():
        acc = jnp.maximum(acc_ref[...], cand)
        masked = jnp.where(acc > _THRESHOLD, acc, ninf)
        out_ref[0] = _to_key(masked)


def _iota16():
    return lax.iota(jnp.int32, 16)


def _rmw_lane(ref, pos, val):
    base = (pos // 16) * 16
    lane = pos - base
    v = ref[pl.ds(base, 16)]
    ref[pl.ds(base, 16)] = jnp.where(_iota16() == lane, val, v)


def _sc_body(keys_hbm, ids_hbm, pix_hbm, sc_hbm,
             kv, cmx, gmax, g2, lk, li, shk, shi, mk, mi,
             selk, seli, idsb, scb):
    cid = lax.axis_index("c")
    wid = lax.axis_index("s")
    active = cid == 0
    w0 = jnp.logical_and(active, wid == 0)
    it = _iota16()

    @pl.when(active)
    def _():
        pltpu.sync_copy(keys_hbm.at[pl.ds(wid * _CHUNK, _CHUNK)], kv)
        @plsc.parallel_loop(0, _NG, unroll=8)
        def _(g):
            cmx[pl.ds(g * 16, 16)] = plsc.cummax(kv[pl.ds(g * 16, 16)])

        @plsc.parallel_loop(0, _NJ, unroll=4)
        def _(j):
            gmax[pl.ds(j * 16, 16)] = plsc.load_gather(
                cmx, [j * 256 + it * 16 + 15])

        @plsc.parallel_loop(0, _NJ, unroll=4)
        def _(j):
            cmx[pl.ds(j * 16, 16)] = plsc.cummax(gmax[pl.ds(j * 16, 16)])
        g2[pl.ds(0, 16)] = plsc.load_gather(cmx, [it * 16 + 15])
        g2[pl.ds(16, 16)] = plsc.load_gather(cmx, [256 + it * 16 + 15])

        def p2(r, _):
            va = g2[pl.ds(0, 16)]
            vb = g2[pl.ds(16, 16)]
            take = vb > va
            cv = jnp.where(take, vb, va)
            cj = jnp.where(take, it + 16, it)
            m = jnp.max(cv)
            jstar = jnp.min(jnp.where(cv == m, cj, jnp.int32(31)))
            gv = gmax[pl.ds(jstar * 16, 16)]
            gin = jnp.min(jnp.where(gv == m, it, jnp.int32(15)))
            gstar = jstar * 16 + gin
            kvv = kv[pl.ds(gstar * 16, 16)]
            lstar = jnp.min(jnp.where(kvv == m, it, jnp.int32(15)))
            lidx = gstar * 16 + lstar

            kvv2 = jnp.where(it == lstar, jnp.int32(_MIN), kvv)
            kv[pl.ds(gstar * 16, 16)] = kvv2
            gv2 = jnp.where(it == gin, jnp.max(kvv2), gv)
            gmax[pl.ds(jstar * 16, 16)] = gv2
            ng2 = jnp.max(gv2)
            base2 = (jstar // 16) * 16
            v2 = g2[pl.ds(base2, 16)]
            g2[pl.ds(base2, 16)] = jnp.where(it == jstar - base2, ng2, v2)

            _rmw_lane(lk, r, m)
            _rmw_lane(li, r, wid * _CHUNK + lidx)
            return 0
        lax.fori_loop(0, _TOPK, p2, 0)

        for t in range(_TOPK // 16, 8):
            padmask = (t * 16 + it) >= _TOPK
            lk[pl.ds(t * 16, 16)] = jnp.where(padmask, jnp.int32(_MIN),
                                              lk[pl.ds(t * 16, 16)])
            li[pl.ds(t * 16, 16)] = jnp.where(padmask, jnp.int32(0),
                                              li[pl.ds(t * 16, 16)])
        pltpu.sync_copy(lk, shk.at[pl.ds(wid * 128, 128)])
        pltpu.sync_copy(li, shi.at[pl.ds(wid * 128, 128)])

    plsc.subcore_barrier()

    @pl.when(w0)
    def _():
        pltpu.sync_copy(shk, mk)
        pltpu.sync_copy(shi, mi)
        heads0 = plsc.load_gather(mk, [it * 128])
        ptrs0 = jnp.zeros((16,), jnp.int32)

        def p4(i, carry):
            heads, ptrs = carry
            m = jnp.max(heads)
            wstar = jnp.min(jnp.where(heads == m, it, jnp.int32(15)))
            p = jnp.minimum(
                jnp.min(jnp.where(it == wstar, ptrs, jnp.int32(126))),
                jnp.int32(126))
            gidx = mi[pl.ds(wstar * 128 + p, 16)][0]
            nxt = mk[pl.ds(wstar * 128 + p + 1, 16)][0]
            heads = jnp.where(it == wstar, nxt, heads)
            ptrs = jnp.where(it == wstar, p + 1, ptrs)
            _rmw_lane(selk, i, m)
            _rmw_lane(seli, i, gidx)
            return heads, ptrs
        lax.fori_loop(0, _TOPK, p4, (heads0, ptrs0))

        for t in range(8):
            sl = pl.ds(t * 16, 16)
            iv = seli[sl]
            idsb[sl] = lax.shift_right_arithmetic(iv, 14)
            k = selk[sl]
            bits = jnp.where(k >= 0, k, k ^ jnp.int32(0x7FFFFFFF))
            scb[sl] = plsc.bitcast(bits, jnp.float32)

        pltpu.sync_copy(idsb, ids_hbm)
        pltpu.sync_copy(seli, pix_hbm)
        pltpu.sync_copy(scb, sc_hbm)


def _sc_topk(keys_flat):
    mesh = plsc.VectorSubcoreMesh(core_axis_name="c", subcore_axis_name="s")
    f = pl.kernel(
        _sc_body,
        out_type=[jax.ShapeDtypeStruct((128,), jnp.int32),
                  jax.ShapeDtypeStruct((128,), jnp.int32),
                  jax.ShapeDtypeStruct((128,), jnp.float32)],
        mesh=mesh,
        compiler_params=pltpu.CompilerParams(needs_layout_passes=False),
        scratch_types=[
            pltpu.VMEM((_CHUNK,), jnp.int32),
            pltpu.VMEM((_CHUNK,), jnp.int32),
            pltpu.VMEM((_NG,), jnp.int32),
            pltpu.VMEM((32,), jnp.int32),
            pltpu.VMEM((128,), jnp.int32),
            pltpu.VMEM((128,), jnp.int32),
            pltpu.VMEM_SHARED((2048,), jnp.int32),
            pltpu.VMEM_SHARED((2048,), jnp.int32),
            pltpu.VMEM((2048,), jnp.int32),
            pltpu.VMEM((2048,), jnp.int32),
            pltpu.VMEM((128,), jnp.int32),
            pltpu.VMEM((128,), jnp.int32),
            pltpu.VMEM((128,), jnp.int32),
            pltpu.VMEM((128,), jnp.float32),
        ],
    )
    return f(keys_flat)


def _boxes_kernel(pix_ref, pwh_ref, pxy_ref, boxes_ref):
    pix = lax.transpose(pix_ref[...], (1, 0))
    b = pix // (_H * _W)
    rem = pix - b * (_H * _W)
    y = rem // _W
    x = rem - y * _W
    r0 = b * (2 * _H) + y
    riota = lax.broadcasted_iota(jnp.int32, (128, 2 * _B * _H), 1)
    p0 = (riota == r0).astype(jnp.float32)
    p1 = (riota == r0 + _H).astype(jnp.float32)
    gw = jnp.dot(p0, pwh_ref[...], preferred_element_type=jnp.float32, precision=lax.Precision.HIGHEST)
    gh = jnp.dot(p1, pwh_ref[...], preferred_element_type=jnp.float32, precision=lax.Precision.HIGHEST)
    gx = jnp.dot(p0, pxy_ref[...], preferred_element_type=jnp.float32, precision=lax.Precision.HIGHEST)
    gy = jnp.dot(p1, pxy_ref[...], preferred_element_type=jnp.float32, precision=lax.Precision.HIGHEST)
    xsel = lax.broadcasted_iota(jnp.int32, (128, _W), 1) == x
    zf = jnp.zeros((128, _W), jnp.float32)
    w = jnp.sum(jnp.where(xsel, gw, zf), axis=1, keepdims=True)
    h = jnp.sum(jnp.where(xsel, gh, zf), axis=1, keepdims=True)
    ox = jnp.sum(jnp.where(xsel, gx, zf), axis=1, keepdims=True)
    oy = jnp.sum(jnp.where(xsel, gy, zf), axis=1, keepdims=True)
    xc = (ox + x.astype(jnp.float32)) / jnp.float32(_W)
    yc = (oy + y.astype(jnp.float32)) / jnp.float32(_H)
    boxes_ref[...] = jnp.concatenate(
        [xc - w * 0.5, yc - h * 0.5, xc + w * 0.5, yc + h * 0.5], axis=1)


def kernel(pheatmap, pwh, pxy_offset, pkeypoint_offset):
    del pkeypoint_offset
    keys = pl.pallas_call(
        _nms_kernel,
        grid=(_B, _NCB),
        in_specs=[pl.BlockSpec((1, _CBLK, _H, _W), lambda b, c: (b, c, 0, 0))],
        out_specs=pl.BlockSpec((1, _H, _W), lambda b, c: (b, 0, 0)),
        out_shape=jax.ShapeDtypeStruct((_B, _H, _W), jnp.int32),
        scratch_shapes=[pltpu.VMEM((_H, _W), jnp.float32)],
    )(pheatmap)

    ids_p, pix_p, sc_p = _sc_topk(keys.reshape(-1))

    boxes_p = pl.pallas_call(
        _boxes_kernel,
        out_shape=jax.ShapeDtypeStruct((128, 4), jnp.float32),
    )(pix_p.reshape(1, 128), pwh.reshape(2 * _B * _H, _W),
      pxy_offset.reshape(2 * _B * _H, _W))

    ids = ids_p[:_TOPK]
    scores = sc_p[:_TOPK]
    boxes = boxes_p[:_TOPK]
    return ids, boxes, scores, scores

# --- scband reference (transcript-rebuilt; emitter-appended) ---
"""Pipeline reference for scband-predict-center-88794153878128 (READ-ONLY COPY).

The authoritative reference and input builder live on the scoring server;
editing this copy changes nothing except your own understanding.
"""

import jax, jax.numpy as jnp
import numpy as np

THRESHOLD_CONF = 0.18
TOPK = 100


def maxpool3(x):
    return jax.lax.reduce_window(x, -jnp.inf, jax.lax.max, (1, 1, 3, 3), (1, 1, 1, 1), 'SAME')


def pool_nms(phm):
    hmax = maxpool3(phm)
    keep = (hmax == phm).astype(phm.dtype)
    return phm * keep


def xywh2ltrb(b):
    xy = b[..., :2]
    wh = b[..., 2:]
    return jnp.concatenate([xy - wh / 2.0, xy + wh / 2.0], axis=-1)


def setup_inputs(seed: int = 0):
    key = jax.random.key(seed)
    k1, k2, k3, k4 = jax.random.split(key, 4)
    pheatmap = jax.random.uniform(k1, (8, 80, 128, 128), dtype=jnp.float32)
    pwh = jax.random.uniform(k2, (8, 2, 128, 128), dtype=jnp.float32)
    pxy_offset = jax.random.uniform(k3, (8, 2, 128, 128), dtype=jnp.float32)
    pkeypoint_offset = jax.random.uniform(k4, (8, 2, 128, 128), dtype=jnp.float32)
    return {"pheatmap": pheatmap, "pwh": pwh, "pxy_offset": pxy_offset, "pkeypoint_offset": pkeypoint_offset}


def reference(pheatmap, pwh, pxy_offset, pkeypoint_offset):
    # pool_nms + permute to NHWC
    phm_nms = jnp.transpose(pool_nms(pheatmap), (0, 2, 3, 1))
    mask = jnp.any(phm_nms > THRESHOLD_CONF, axis=-1)
    pxy = jnp.transpose(pxy_offset, (0, 2, 3, 1))
    pw = jnp.transpose(pwh, (0, 2, 3, 1))
    # stage 1: dense fixed-shape candidate scoring; failing pixels carry -inf
    B, H, W = mask.shape
    pscores_full = jnp.max(phm_nms, axis=-1)
    pscores_masked = jnp.where(mask, pscores_full, -jnp.inf)
    pscores_flat = pscores_masked.reshape(-1)
    fsize = jnp.array(phm_nms.shape[1:3], dtype=jnp.float32)
    # top-k by score (descending); stable sort over row-major flat index
    # matches the stable sort over the row-major candidate list
    pscores_argsort = jnp.argsort(-pscores_flat)
    pscores_topk = pscores_argsort[:TOPK]
    ids_batch2 = pscores_topk // (H * W)
    rem = pscores_topk % (H * W)
    ids_row2 = rem // W
    ids_col2 = rem % W
    pwh2 = pw[ids_batch2, ids_row2, ids_col2]
    pxy_offset2 = pxy[ids_batch2, ids_row2, ids_col2]
    colrows_index = jnp.concatenate([ids_col2[:, None], ids_row2[:, None]], axis=-1).astype(jnp.float32)
    pxy_c = (pxy_offset2 + colrows_index) / fsize
    pboxes_xywh2 = jnp.concatenate([pxy_c, pwh2], axis=-1)
    pboxes_ltrb2 = xywh2ltrb(pboxes_xywh2)
    pscores2 = pscores_flat[pscores_topk]
    plabels2 = pscores2  # faithful to source (labels var holds scores)
    return (ids_batch2, pboxes_ltrb2, plabels2, pscores2)

if __name__ == "__main__":
    import jax
    _d = setup_inputs()
    print(jax.jit(kernel)(*tuple(_d.values())))

</pallas_src>

<mosaic_0001>
#map = affine_map<(d0, d1) -> (0)>
module attributes {stable_mosaic.version = 14 : i64} {
  func.func @_sc_body(%arg0: i32, %arg1: i32, %arg2: memref<131072xi32, #tpu.memory_space<hbm>>, %arg3: memref<128xi32, #tpu.memory_space<hbm>>, %arg4: memref<128xi32, #tpu.memory_space<hbm>>, %arg5: memref<128xf32, #tpu.memory_space<hbm>>, %arg6: memref<8192xi32, #tpu.memory_space<vmem>>, %arg7: memref<8192xi32, #tpu.memory_space<vmem>>, %arg8: memref<512xi32, #tpu.memory_space<vmem>>, %arg9: memref<32xi32, #tpu.memory_space<vmem>>, %arg10: memref<128xi32, #tpu.memory_space<vmem>>, %arg11: memref<128xi32, #tpu.memory_space<vmem>>, %arg12: memref<2048xi32, #tpu.memory_space<vmem_shared>>, %arg13: memref<2048xi32, #tpu.memory_space<vmem_shared>>, %arg14: memref<2048xi32, #tpu.memory_space<vmem>>, %arg15: memref<2048xi32, #tpu.memory_space<vmem>>, %arg16: memref<128xi32, #tpu.memory_space<vmem>>, %arg17: memref<128xi32, #tpu.memory_space<vmem>>, %arg18: memref<128xi32, #tpu.memory_space<vmem>>, %arg19: memref<128xf32, #tpu.memory_space<vmem>>) attributes {dimension_semantics = [#tpu.dimension_semantics<core_parallel>, #tpu.dimension_semantics<subcore_parallel>], iteration_bounds = array<i64: 2, 16>, scalar_prefetch = 0 : i64, scratch_operands = 14 : i64, tpu.core_type = #tpu.core_type<sc_vector_subcore>, window_params = [{transform_indices = #map}, {transform_indices = #map}, {transform_indices = #map}, {transform_indices = #map}]} {
    %eq3A = arith.constant 0 : i32
    %eq3A_0 = arith.cmpi eq, %arg0, %eq3A : i32
    %eq3A_1 = arith.constant 0 : i32
    %eq3A_2 = arith.cmpi eq, %arg1, %eq3A_1 : i32
    %and3A = arith.andi %eq3A_0, %eq3A_2 : i1
    %iota3A = tpu.iota {dimensions = array<i32: 0>} : vector<16xi32>
    %convert_element_type3A = arith.extui %eq3A_0 : i1 to i32
    %cond3A = arith.constant 0 : i32
    %cond3A_3 = arith.cmpi ne, %convert_element_type3A, %cond3A : i32
    scf.if %cond3A_3 {
      %mul3A = arith.constant 8192 : i32
      %mul3A_7 = arith.muli %arg1, %mul3A : i32
      "tpu.region"() ({
        %run_scoped3A = tpu.sem_alloc : memref<!tpu.dma_semaphore, #tpu.memory_space<semaphore_mem>>
        %dma_start3A = tpu.memref_slice %arg2[%mul3A_7] : memref<131072xi32, #tpu.memory_space<hbm>> -> memref<8192xi32, #tpu.memory_space<hbm>>
        %dma_start3A_79 = tpu.memref_slice %arg2[%mul3A_7] : memref<131072xi32, #tpu.memory_space<hbm>> -> memref<8192xi32, #tpu.memory_space<hbm>>
        tpu.enqueue_dma source(%dma_start3A_79 : memref<8192xi32, #tpu.memory_space<hbm>>) target(%arg6 : memref<8192xi32, #tpu.memory_space<vmem>>) target_semaphore(%run_scoped3A : memref<!tpu.dma_semaphore, #tpu.memory_space<semaphore_mem>>)
        %dma_wait3A = tpu.memref_slice %arg2[%mul3A_7] : memref<131072xi32, #tpu.memory_space<hbm>> -> memref<8192xi32, #tpu.memory_space<hbm>>
        %dma_wait3A_80 = tpu.memref_slice %arg2[%mul3A_7] : memref<131072xi32, #tpu.memory_space<hbm>> -> memref<8192xi32, #tpu.memory_space<hbm>>
        tpu.wait_dma2 semaphore(%run_scoped3A : memref<!tpu.dma_semaphore, #tpu.memory_space<semaphore_mem>>) src(%dma_wait3A_80 : memref<8192xi32, #tpu.memory_space<hbm>>) dst(%arg6 : memref<8192xi32, #tpu.memory_space<vmem>>)
        tpu.yield
      }) : () -> ()
      %parallel_loop3A = arith.constant 0 : i32
      %parallel_loop3A_8 = arith.constant 512 : i32
      %parallel_loop3A_9 = arith.constant 1 : i32
      scf.for %parallel_loop3A_79 = %parallel_loop3A to %parallel_loop3A_8 step %parallel_loop3A_9  : i32 {
        %parallel_loop3A_80 = arith.constant 16 : i32
        %parallel_loop3A_81 = arith.muli %parallel_loop3A_79, %parallel_loop3A_80 : i32
        %parallel_loop3A_82 = arith.index_cast %parallel_loop3A_81 : i32 to index
        %parallel_loop3A_83 = tpu.vector_load %arg6[%parallel_loop3A_82] {strides = array<i32>} : memref<8192xi32, #tpu.memory_space<vmem>>, vector<16xi32>,
        %parallel_loop3A_84 = arith.constant true
        %parallel_loop3A_85 = vector.broadcast %parallel_loop3A_84 : i1 to vector<16xi1>
        %parallel_loop3A_86 = arith.constant -2147483648 : i32
        %parallel_loop3A_87 = vector.broadcast %parallel_loop3A_86 : i32 to vector<16xi32>
        %parallel_loop3A_88 = arith.xori %parallel_loop3A_83, %parallel_loop3A_87 : vector<16xi32>
        %parallel_loop3A_89 = tpu.scan <max>, %parallel_loop3A_88 masked %parallel_loop3A_85 : vector<16xi32>, vector<16xi1> -> vector<16xi32>
        %parallel_loop3A_90 = arith.xori %parallel_loop3A_89, %parallel_loop3A_87 : vector<16xi32>
        %parallel_loop3A_91 = arith.constant 16 : i32
        %parallel_loop3A_92 = arith.muli %parallel_loop3A_79, %parallel_loop3A_91 : i32
        %parallel_loop3A_93 = arith.index_cast %parallel_loop3A_92 : i32 to index
        %parallel_loop3A_94 = tpu.vector_load %arg7[%parallel_loop3A_93] {strides = array<i32>} : memref<8192xi32, #tpu.memory_space<vmem>>, vector<16xi32>,
        tpu.vector_store %arg7[%parallel_loop3A_93], %parallel_loop3A_90 {strides = array<i32>} : memref<8192xi32, #tpu.memory_space<vmem>>, vector<16xi32>,
      } {sc.loop_unroll_factor = 8 : i64, sc.parallel_access}
      %parallel_loop3A_10 = arith.constant 0 : i32
      %parallel_loop3A_11 = arith.constant 32 : i32
      %parallel_loop3A_12 = arith.constant 1 : i32
      scf.for %parallel_loop3A_79 = %parallel_loop3A_10 to %parallel_loop3A_11 step %parallel_loop3A_12  : i32 {
        %parallel_loop3A_80 = arith.constant 256 : i32
        %parallel_loop3A_81 = arith.muli %parallel_loop3A_79, %parallel_loop3A_80 : i32
        %parallel_loop3A_82 = arith.constant 16 : i32
        %parallel_loop3A_83 = vector.broadcast %parallel_loop3A_82 : i32 to vector<16xi32>
        %parallel_loop3A_84 = arith.muli %iota3A, %parallel_loop3A_83 : vector<16xi32>
        %parallel_loop3A_85 = vector.broadcast %parallel_loop3A_81 : i32 to vector<16xi32>
        %parallel_loop3A_86 = arith.addi %parallel_loop3A_85, %parallel_loop3A_84 : vector<16xi32>
        %parallel_loop3A_87 = arith.constant 15 : i32
        %parallel_loop3A_88 = vector.broadcast %parallel_loop3A_87 : i32 to vector<16xi32>
        %parallel_loop3A_89 = arith.addi %parallel_loop3A_86, %parallel_loop3A_88 : vector<16xi32>
        %parallel_loop3A_90 = tpu.vector_load_idx %arg7[%parallel_loop3A_89] : memref<8192xi32, #tpu.memory_space<vmem>>[vector<16xi32>], vector<16xi32>,
        %parallel_loop3A_91 = arith.constant 16 : i32
        %parallel_loop3A_92 = arith.muli %parallel_loop3A_79, %parallel_loop3A_91 : i32
        %parallel_loop3A_93 = arith.index_cast %parallel_loop3A_92 : i32 to index
        %parallel_loop3A_94 = tpu.vector_load %arg8[%parallel_loop3A_93] {strides = array<i32>} : memref<512xi32, #tpu.memory_space<vmem>>, vector<16xi32>,
        tpu.vector_store %arg8[%parallel_loop3A_93], %parallel_loop3A_90 {strides = array<i32>} : memref<512xi32, #tpu.memory_space<vmem>>, vector<16xi32>,
      } {sc.loop_unroll_factor = 4 : i64, sc.parallel_access}
      %parallel_loop3A_13 = arith.constant 0 : i32
      %parallel_loop3A_14 = arith.constant 32 : i32
      %parallel_loop3A_15 = arith.constant 1 : i32
      scf.for %parallel_loop3A_79 = %parallel_loop3A_13 to %parallel_loop3A_14 step %parallel_loop3A_15  : i32 {
        %parallel_loop3A_80 = arith.constant 16 : i32
        %parallel_loop3A_81 = arith.muli %parallel_loop3A_79, %parallel_loop3A_80 : i32
        %parallel_loop3A_82 = arith.index_cast %parallel_loop3A_81 : i32 to index
        %parallel_loop3A_83 = tpu.vector_load %arg8[%parallel_loop3A_82] {strides = array<i32>} : memref<512xi32, #tpu.memory_space<vmem>>, vector<16xi32>,
        %parallel_loop3A_84 = arith.constant true
        %parallel_loop3A_85 = vector.broadcast %parallel_loop3A_84 : i1 to vector<16xi1>
        %parallel_loop3A_86 = arith.constant -2147483648 : i32
        %parallel_loop3A_87 = vector.broadcast %parallel_loop3A_86 : i32 to vector<16xi32>
        %parallel_loop3A_88 = arith.xori %parallel_loop3A_83, %parallel_loop3A_87 : vector<16xi32>
        %parallel_loop3A_89 = tpu.scan <max>, %parallel_loop3A_88 masked %parallel_loop3A_85 : vector<16xi32>, vector<16xi1> -> vector<16xi32>
        %parallel_loop3A_90 = arith.xori %parallel_loop3A_89, %parallel_loop3A_87 : vector<16xi32>
        %parallel_loop3A_91 = arith.constant 16 : i32
        %parallel_loop3A_92 = arith.muli %parallel_loop3A_79, %parallel_loop3A_91 : i32
        %parallel_loop3A_93 = arith.index_cast %parallel_loop3A_92 : i32 to index
        %parallel_loop3A_94 = tpu.vector_load %arg7[%parallel_loop3A_93] {strides = array<i32>} : memref<8192xi32, #tpu.memory_space<vmem>>, vector<16xi32>,
        tpu.vector_store %arg7[%parallel_loop3A_93], %parallel_loop3A_90 {strides = array<i32>} : memref<8192xi32, #tpu.memory_space<vmem>>, vector<16xi32>,
      } {sc.loop_unroll_factor = 4 : i64, sc.parallel_access}
      %mul3A_16 = arith.constant 16 : i32
      %mul3A_17 = vector.broadcast %mul3A_16 : i32 to vector<16xi32>
      %mul3A_18 = arith.muli %iota3A, %mul3A_17 : vector<16xi32>
      %add3A = arith.constant 15 : i32
      %add3A_19 = vector.broadcast %add3A : i32 to vector<16xi32>
      %add3A_20 = arith.addi %mul3A_18, %add3A_19 : vector<16xi32>
      %gather3A = tpu.vector_load_idx %arg7[%add3A_20] : memref<8192xi32, #tpu.memory_space<vmem>>[vector<16xi32>], vector<16xi32>,
      %swap3A = arith.constant 0 : index
      %swap3A_21 = tpu.vector_load %arg9[%swap3A] {strides = array<i32>} : memref<32xi32, #tpu.memory_space<vmem>>, vector<16xi32>,
      tpu.vector_store %arg9[%swap3A], %gather3A {strides = array<i32>} : memref<32xi32, #tpu.memory_space<vmem>>, vector<16xi32>,
      %mul3A_22 = arith.constant 16 : i32
      %mul3A_23 = vector.broadcast %mul3A_22 : i32 to vector<16xi32>
      %mul3A_24 = arith.muli %iota3A, %mul3A_23 : vector<16xi32>
      %add3A_25 = arith.constant 256 : i32
      %add3A_26 = vector.broadcast %add3A_25 : i32 to vector<16xi32>
      %add3A_27 = arith.addi %add3A_26, %mul3A_24 : vector<16xi32>
      %add3A_28 = arith.constant 15 : i32
      %add3A_29 = vector.broadcast %add3A_28 : i32 to vector<16xi32>
      %add3A_30 = arith.addi %add3A_27, %add3A_29 : vector<16xi32>
      %gather3A_31 = tpu.vector_load_idx %arg7[%add3A_30] : memref<8192xi32, #tpu.memory_space<vmem>>[vector<16xi32>], vector<16xi32>,
      %swap3A_32 = arith.constant 16 : index
      %swap3A_33 = tpu.vector_load %arg9[%swap3A_32] {strides = array<i32>} : memref<32xi32, #tpu.memory_space<vmem>>, vector<16xi32>,
      tpu.vector_store %arg9[%swap3A_32], %gather3A_31 {strides = array<i32>} : memref<32xi32, #tpu.memory_space<vmem>>, vector<16xi32>,
      %scan3A = arith.constant 0 : i32
      %scan3A_34 = arith.constant 0 : i32
      %scan3A_35 = arith.constant 100 : i32
      %scan3A_36 = arith.addi %scan3A_34, %scan3A_35 : i32
      %scan3A_37 = arith.constant 1 : i32
      %scan3A_38 = scf.for %scan3A_79 = %scan3A_34 to %scan3A_36 step %scan3A_37 iter_args(%scan3A_80 = %scan3A) -> (i32)  : i32 {
        %get3A_81 = arith.constant 0 : index
        %get3A_82 = tpu.vector_load %arg9[%get3A_81] {strides = array<i32>} : memref<32xi32, #tpu.memory_space<vmem>>, vector<16xi32>,
        %get3A_83 = arith.constant 16 : index
        %get3A_84 = tpu.vector_load %arg9[%get3A_83] {strides = array<i32>} : memref<32xi32, #tpu.memory_space<vmem>>, vector<16xi32>,
        %gt3A = arith.cmpi sgt, %get3A_84, %get3A_82 : vector<16xi32>
        %select_n3A_85 = arith.select %gt3A, %get3A_84, %get3A_82 : vector<16xi1>, vector<16xi32>
        %add3A_86 = arith.constant 16 : i32
        %add3A_87 = vector.broadcast %add3A_86 : i32 to vector<16xi32>
        %add3A_88 = arith.addi %iota3A, %add3A_87 : vector<16xi32>
        %select_n3A_89 = arith.select %gt3A, %add3A_88, %iota3A : vector<16xi1>, vector<16xi32>
        %reduce_max3A = arith.constant true
        %reduce_max3A_90 = vector.broadcast %reduce_max3A : i1 to vector<16xi1>
        %reduce_max3A_91 = arith.constant -2147483648 : i32
        %reduce_max3A_92 = vector.broadcast %reduce_max3A_91 : i32 to vector<16xi32>
        %reduce_max3A_93 = arith.xori %select_n3A_85, %reduce_max3A_92 : vector<16xi32>
        %reduce_max3A_94 = tpu.scan <max>, %reduce_max3A_93 masked %reduce_max3A_90 : vector<16xi32>, vector<16xi1> -> vector<16xi32>
        %reduce_max3A_95 = arith.xori %reduce_max3A_94, %reduce_max3A_92 : vector<16xi32>
        %reduce_max3A_96 = vector.extract %reduce_max3A_95[15] : i32 from vector<16xi32>
        %eq3A_97 = vector.broadcast %reduce_max3A_96 : i32 to vector<16xi32>
        %eq3A_98 = arith.cmpi eq, %select_n3A_85, %eq3A_97 : vector<16xi32>
        %jit3A_99 = arith.constant 31 : i32
        %broadcast_in_dim3A_100 = vector.broadcast %jit3A_99 : i32 to vector<16xi32>
        %select_n3A_101 = arith.select %eq3A_98, %select_n3A_89, %broadcast_in_dim3A_100 : vector<16xi1>, vector<16xi32>
        %reduce_min3A = arith.constant true
        %reduce_min3A_102 = vector.broadcast %reduce_min3A : i1 to vector<16xi1>
        %reduce_min3A_103 = arith.constant -2147483648 : i32
        %reduce_min3A_104 = vector.broadcast %reduce_min3A_103 : i32 to vector<16xi32>
        %reduce_min3A_105 = arith.xori %select_n3A_101, %reduce_min3A_104 : vector<16xi32>
        %reduce_min3A_106 = tpu.scan <min>, %reduce_min3A_105 masked %reduce_min3A_102 : vector<16xi32>, vector<16xi1> -> vector<16xi32>
        %reduce_min3A_107 = arith.xori %reduce_min3A_106, %reduce_min3A_104 : vector<16xi32>
        %reduce_min3A_108 = vector.extract %reduce_min3A_107[15] : i32 from vector<16xi32>
        %mul3A_109 = arith.constant 16 : i32
        %mul3A_110 = arith.muli %reduce_min3A_108, %mul3A_109 : i32
        %get3A_111 = arith.index_cast %mul3A_110 : i32 to index
        %get3A_112 = tpu.vector_load %arg8[%get3A_111] {strides = array<i32>} : memref<512xi32, #tpu.memory_space<vmem>>, vector<16xi32>,
        %eq3A_113 = vector.broadcast %reduce_max3A_96 : i32 to vector<16xi32>
        %eq3A_114 = arith.cmpi eq, %get3A_112, %eq3A_113 : vector<16xi32>
        %jit3A_115 = arith.constant 15 : i32
        %broadcast_in_dim3A_116 = vector.broadcast %jit3A_115 : i32 to vector<16xi32>
        %select_n3A_117 = arith.select %eq3A_114, %iota3A, %broadcast_in_dim3A_116 : vector<16xi1>, vector<16xi32>
        %reduce_min3A_118 = arith.constant true
        %reduce_min3A_119 = vector.broadcast %reduce_min3A_118 : i1 to vector<16xi1>
        %reduce_min3A_120 = arith.constant -2147483648 : i32
        %reduce_min3A_121 = vector.broadcast %reduce_min3A_120 : i32 to vector<16xi32>
        %reduce_min3A_122 = arith.xori %select_n3A_117, %reduce_min3A_121 : vector<16xi32>
        %reduce_min3A_123 = tpu.scan <min>, %reduce_min3A_122 masked %reduce_min3A_119 : vector<16xi32>, vector<16xi1> -> vector<16xi32>
        %reduce_min3A_124 = arith.xori %reduce_min3A_123, %reduce_min3A_121 : vector<16xi32>
        %reduce_min3A_125 = vector.extract %reduce_min3A_124[15] : i32 from vector<16xi32>
        %mul3A_126 = arith.constant 16 : i32
        %mul3A_127 = arith.muli %reduce_min3A_108, %mul3A_126 : i32
        %add3A_128 = arith.addi %mul3A_127, %reduce_min3A_125 : i32
        %mul3A_129 = arith.constant 16 : i32
        %mul3A_130 = arith.muli %add3A_128, %mul3A_129 : i32
        %get3A_131 = arith.index_cast %mul3A_130 : i32 to index
        %get3A_132 = tpu.vector_load %arg6[%get3A_131] {strides = array<i32>} : memref<8192xi32, #tpu.memory_space<vmem>>, vector<16xi32>,
        %eq3A_133 = vector.broadcast %reduce_max3A_96 : i32 to vector<16xi32>
        %eq3A_134 = arith.cmpi eq, %get3A_132, %eq3A_133 : vector<16xi32>
        %jit3A_135 = arith.constant 15 : i32
        %broadcast_in_dim3A_136 = vector.broadcast %jit3A_135 : i32 to vector<16xi32>
        %select_n3A_137 = arith.select %eq3A_134, %iota3A, %broadcast_in_dim3A_136 : vector<16xi1>, vector<16xi32>
        %reduce_min3A_138 = arith.constant true
        %reduce_min3A_139 = vector.broadcast %reduce_min3A_138 : i1 to vector<16xi1>
        %reduce_min3A_140 = arith.constant -2147483648 : i32
        %reduce_min3A_141 = vector.broadcast %reduce_min3A_140 : i32 to vector<16xi32>
        %reduce_min3A_142 = arith.xori %select_n3A_137, %reduce_min3A_141 : vector<16xi32>
        %reduce_min3A_143 = tpu.scan <min>, %reduce_min3A_142 masked %reduce_min3A_139 : vector<16xi32>, vector<16xi1> -> vector<16xi32>
        %reduce_min3A_144 = arith.xori %reduce_min3A_143, %reduce_min3A_141 : vector<16xi32>
        %reduce_min3A_145 = vector.extract %reduce_min3A_144[15] : i32 from vector<16xi32>
        %mul3A_146 = arith.constant 16 : i32
        %mul3A_147 = arith.muli %add3A_128, %mul3A_146 : i32
        %add3A_148 = arith.addi %mul3A_147, %reduce_min3A_145 : i32
        %eq3A_149 = vector.broadcast %reduce_min3A_145 : i32 to vector<16xi32>
        %eq3A_150 = arith.cmpi eq, %iota3A, %eq3A_149 : vector<16xi32>
        %jit3A_151 = arith.constant -2147483648 : i32
        %broadcast_in_dim3A_152 = vector.broadcast %jit3A_151 : i32 to vector<16xi32>
        %select_n3A_153 = arith.select %eq3A_150, %broadcast_in_dim3A_152, %get3A_132 : vector<16xi1>, vector<16xi32>
        %mul3A_154 = arith.constant 16 : i32
        %mul3A_155 = arith.muli %add3A_128, %mul3A_154 : i32
        %swap3A_156 = arith.index_cast %mul3A_155 : i32 to index
        %swap3A_157 = tpu.vector_load %arg6[%swap3A_156] {strides = array<i32>} : memref<8192xi32, #tpu.memory_space<vmem>>, vector<16xi32>,
        tpu.vector_store %arg6[%swap3A_156], %select_n3A_153 {strides = array<i32>} : memref<8192xi32, #tpu.memory_space<vmem>>, vector<16xi32>,
        %eq3A_158 = vector.broadcast %reduce_min3A_125 : i32 to vector<16xi32>
        %eq3A_159 = arith.cmpi eq, %iota3A, %eq3A_158 : vector<16xi32>
        %reduce_max3A_160 = arith.constant true
        %reduce_max3A_161 = vector.broadcast %reduce_max3A_160 : i1 to vector<16xi1>
        %reduce_max3A_162 = arith.constant -2147483648 : i32
        %reduce_max3A_163 = vector.broadcast %reduce_max3A_162 : i32 to vector<16xi32>
        %reduce_max3A_164 = arith.xori %select_n3A_153, %reduce_max3A_163 : vector<16xi32>
        %reduce_max3A_165 = tpu.scan <max>, %reduce_max3A_164 masked %reduce_max3A_161 : vector<16xi32>, vector<16xi1> -> vector<16xi32>
        %reduce_max3A_166 = arith.xori %reduce_max3A_165, %reduce_max3A_163 : vector<16xi32>
        %reduce_max3A_167 = vector.extract %reduce_max3A_166[15] : i32 from vector<16xi32>
        %broadcast_in_dim3A_168 = vector.broadcast %reduce_max3A_167 : i32 to vector<16xi32>
        %select_n3A_169 = arith.select %eq3A_159, %broadcast_in_dim3A_168, %get3A_112 : vector<16xi1>, vector<16xi32>
        %mul3A_170 = arith.constant 16 : i32
        %mul3A_171 = arith.muli %reduce_min3A_108, %mul3A_170 : i32
        %swap3A_172 = arith.index_cast %mul3A_171 : i32 to index
        %swap3A_173 = tpu.vector_load %arg8[%swap3A_172] {strides = array<i32>} : memref<512xi32, #tpu.memory_space<vmem>>, vector<16xi32>,
        tpu.vector_store %arg8[%swap3A_172], %select_n3A_169 {strides = array<i32>} : memref<512xi32, #tpu.memory_space<vmem>>, vector<16xi32>,
        %reduce_max3A_174 = arith.constant true
        %reduce_max3A_175 = vector.broadcast %reduce_max3A_174 : i1 to vector<16xi1>
        %reduce_max3A_176 = arith.constant -2147483648 : i32
        %reduce_max3A_177 = vector.broadcast %reduce_max3A_176 : i32 to vector<16xi32>
        %reduce_max3A_178 = arith.xori %select_n3A_169, %reduce_max3A_177 : vector<16xi32>
        %reduce_max3A_179 = tpu.scan <max>, %reduce_max3A_178 masked %reduce_max3A_175 : vector<16xi32>, vector<16xi1> -> vector<16xi32>
        %reduce_max3A_180 = arith.xori %reduce_max3A_179, %reduce_max3A_177 : vector<16xi32>
        %reduce_max3A_181 = vector.extract %reduce_max3A_180[15] : i32 from vector<16xi32>
        %jit3A_182 = arith.constant 16 : i32
        %div3A = arith.divsi %reduce_min3A_108, %jit3A_182 : i32
        %sign3A = arith.constant 0 : i32
        %sign3A_183 = arith.cmpi sgt, %reduce_min3A_108, %sign3A : i32
        %sign3A_184 = arith.extui %sign3A_183 : i1 to i32
        %sign3A_185 = arith.constant 0 : i32
        %sign3A_186 = arith.cmpi slt, %reduce_min3A_108, %sign3A_185 : i32
        %sign3A_187 = arith.extui %sign3A_186 : i1 to i32
        %sign3A_188 = arith.subi %sign3A_184, %sign3A_187 : i32
        %sign3A_189 = arith.constant 0 : i32
        %sign3A_190 = arith.cmpi sgt, %jit3A_182, %sign3A_189 : i32
        %sign3A_191 = arith.extui %sign3A_190 : i1 to i32
        %sign3A_192 = arith.constant 0 : i32
        %sign3A_193 = arith.cmpi slt, %jit3A_182, %sign3A_192 : i32
        %sign3A_194 = arith.extui %sign3A_193 : i1 to i32
        %sign3A_195 = arith.subi %sign3A_191, %sign3A_194 : i32
        %ne3A = arith.cmpi ne, %sign3A_188, %sign3A_195 : i32
        %rem3A = arith.remsi %reduce_min3A_108, %jit3A_182 : i32
        %ne3A_196 = arith.constant 0 : i32
        %ne3A_197 = arith.cmpi ne, %rem3A, %ne3A_196 : i32
        %and3A_198 = arith.andi %ne3A, %ne3A_197 : i1
        %sub3A = arith.constant 1 : i32
        %sub3A_199 = arith.subi %div3A, %sub3A : i32
        %select_n3A_200 = arith.select %and3A_198, %sub3A_199, %div3A : i32
        %mul3A_201 = arith.constant 16 : i32
        %mul3A_202 = arith.muli %select_n3A_200, %mul3A_201 : i32
        %get3A_203 = arith.index_cast %mul3A_202 : i32 to index
        %get3A_204 = tpu.vector_load %arg9[%get3A_203] {strides = array<i32>} : memref<32xi32, #tpu.memory_space<vmem>>, vector<16xi32>,
        %sub3A_205 = arith.subi %reduce_min3A_108, %mul3A_202 : i32
        %eq3A_206 = vector.broadcast %sub3A_205 : i32 to vector<16xi32>
        %eq3A_207 = arith.cmpi eq, %iota3A, %eq3A_206 : vector<16xi32>
        %broadcast_in_dim3A_208 = vector.broadcast %reduce_max3A_181 : i32 to vector<16xi32>
        %select_n3A_209 = arith.select %eq3A_207, %broadcast_in_dim3A_208, %get3A_204 : vector<16xi1>, vector<16xi32>
        %swap3A_210 = arith.index_cast %mul3A_202 : i32 to index
        %swap3A_211 = tpu.vector_load %arg9[%swap3A_210] {strides = array<i32>} : memref<32xi32, #tpu.memory_space<vmem>>, vector<16xi32>,
        tpu.vector_store %arg9[%swap3A_210], %select_n3A_209 {strides = array<i32>} : memref<32xi32, #tpu.memory_space<vmem>>, vector<16xi32>,
        %jit3A_212 = arith.constant 16 : i32
        %div3A_213 = arith.divsi %scan3A_79, %jit3A_212 : i32
        %sign3A_214 = arith.constant 0 : i32
        %sign3A_215 = arith.cmpi sgt, %scan3A_79, %sign3A_214 : i32
        %sign3A_216 = arith.extui %sign3A_215 : i1 to i32
        %sign3A_217 = arith.constant 0 : i32
        %sign3A_218 = arith.cmpi slt, %scan3A_79, %sign3A_217 : i32
        %sign3A_219 = arith.extui %sign3A_218 : i1 to i32
        %sign3A_220 = arith.subi %sign3A_216, %sign3A_219 : i32
        %sign3A_221 = arith.constant 0 : i32
        %sign3A_222 = arith.cmpi sgt, %jit3A_212, %sign3A_221 : i32
        %sign3A_223 = arith.extui %sign3A_222 : i1 to i32
        %sign3A_224 = arith.constant 0 : i32
        %sign3A_225 = arith.cmpi slt, %jit3A_212, %sign3A_224 : i32
        %sign3A_226 = arith.extui %sign3A_225 : i1 to i32
        %sign3A_227 = arith.subi %sign3A_223, %sign3A_226 : i32
        %ne3A_228 = arith.cmpi ne, %sign3A_220, %sign3A_227 : i32
        %rem3A_229 = arith.remsi %scan3A_79, %jit3A_212 : i32
        %ne3A_230 = arith.constant 0 : i32
        %ne3A_231 = arith.cmpi ne, %rem3A_229, %ne3A_230 : i32
        %and3A_232 = arith.andi %ne3A_228, %ne3A_231 : i1
        %sub3A_233 = arith.constant 1 : i32
        %sub3A_234 = arith.subi %div3A_213, %sub3A_233 : i32
        %select_n3A_235 = arith.select %and3A_232, %sub3A_234, %div3A_213 : i32
        %mul3A_236 = arith.constant 16 : i32
        %mul3A_237 = arith.muli %select_n3A_235, %mul3A_236 : i32
        %sub3A_238 = arith.subi %scan3A_79, %mul3A_237 : i32
        %get3A_239 = arith.index_cast %mul3A_237 : i32 to index
        %get3A_240 = tpu.vector_load %arg10[%get3A_239] {strides = array<i32>} : memref<128xi32, #tpu.memory_space<vmem>>, vector<16xi32>,
        %iota3A_241 = tpu.iota {dimensions = array<i32: 0>} : vector<16xi32>
        %eq3A_242 = vector.broadcast %sub3A_238 : i32 to vector<16xi32>
        %eq3A_243 = arith.cmpi eq, %iota3A_241, %eq3A_242 : vector<16xi32>
        %broadcast_in_dim3A_244 = vector.broadcast %reduce_max3A_96 : i32 to vector<16xi32>
        %select_n3A_245 = arith.select %eq3A_243, %broadcast_in_dim3A_244, %get3A_240 : vector<16xi1>, vector<16xi32>
        %swap3A_246 = arith.index_cast %mul3A_237 : i32 to index
        %swap3A_247 = tpu.vector_load %arg10[%swap3A_246] {strides = array<i32>} : memref<128xi32, #tpu.memory_space<vmem>>, vector<16xi32>,
        tpu.vector_store %arg10[%swap3A_246], %select_n3A_245 {strides = array<i32>} : memref<128xi32, #tpu.memory_space<vmem>>, vector<16xi32>,
        %mul3A_248 = arith.constant 8192 : i32
        %mul3A_249 = arith.muli %arg1, %mul3A_248 : i32
        %add3A_250 = arith.addi %mul3A_249, %add3A_148 : i32
        %jit3A_251 = arith.constant 16 : i32
        %div3A_252 = arith.divsi %scan3A_79, %jit3A_251 : i32
        %sign3A_253 = arith.constant 0 : i32
        %sign3A_254 = arith.cmpi sgt, %scan3A_79, %sign3A_253 : i32
        %sign3A_255 = arith.extui %sign3A_254 : i1 to i32
        %sign3A_256 = arith.constant 0 : i32
        %sign3A_257 = arith.cmpi slt, %scan3A_79, %sign3A_256 : i32
        %sign3A_258 = arith.extui %sign3A_257 : i1 to i32
        %sign3A_259 = arith.subi %sign3A_255, %sign3A_258 : i32
        %sign3A_260 = arith.constant 0 : i32
        %sign3A_261 = arith.cmpi sgt, %jit3A_251, %sign3A_260 : i32
        %sign3A_262 = arith.extui %sign3A_261 : i1 to i32
        %sign3A_263 = arith.constant 0 : i32
        %sign3A_264 = arith.cmpi slt, %jit3A_251, %sign3A_263 : i32
        %sign3A_265 = arith.extui %sign3A_264 : i1 to i32
        %sign3A_266 = arith.subi %sign3A_262, %sign3A_265 : i32
        %ne3A_267 = arith.cmpi ne, %sign3A_259, %sign3A_266 : i32
        %rem3A_268 = arith.remsi %scan3A_79, %jit3A_251 : i32
        %ne3A_269 = arith.constant 0 : i32
        %ne3A_270 = arith.cmpi ne, %rem3A_268, %ne3A_269 : i32
        %and3A_271 = arith.andi %ne3A_267, %ne3A_270 : i1
        %sub3A_272 = arith.constant 1 : i32
        %sub3A_273 = arith.subi %div3A_252, %sub3A_272 : i32
        %select_n3A_274 = arith.select %and3A_271, %sub3A_273, %div3A_252 : i32
        %mul3A_275 = arith.constant 16 : i32
        %mul3A_276 = arith.muli %select_n3A_274, %mul3A_275 : i32
        %sub3A_277 = arith.subi %scan3A_79, %mul3A_276 : i32
        %get3A_278 = arith.index_cast %mul3A_276 : i32 to index
        %get3A_279 = tpu.vector_load %arg11[%get3A_278] {strides = array<i32>} : memref<128xi32, #tpu.memory_space<vmem>>, vector<16xi32>,
        %iota3A_280 = tpu.iota {dimensions = array<i32: 0>} : vector<16xi32>
        %eq3A_281 = vector.broadcast %sub3A_277 : i32 to vector<16xi32>
        %eq3A_282 = arith.cmpi eq, %iota3A_280, %eq3A_281 : vector<16xi32>
        %broadcast_in_dim3A_283 = vector.broadcast %add3A_250 : i32 to vector<16xi32>
        %select_n3A_284 = arith.select %eq3A_282, %broadcast_in_dim3A_283, %get3A_279 : vector<16xi1>, vector<16xi32>
        %swap3A_285 = arith.index_cast %mul3A_276 : i32 to index
        %swap3A_286 = tpu.vector_load %arg11[%swap3A_285] {strides = array<i32>} : memref<128xi32, #tpu.memory_space<vmem>>, vector<16xi32>,
        tpu.vector_store %arg11[%swap3A_285], %select_n3A_284 {strides = array<i32>} : memref<128xi32, #tpu.memory_space<vmem>>, vector<16xi32>,
        %scan3A_287 = arith.constant 0 : i32
        scf.yield %scan3A_287 : i32
      }
      %scan3A_39 = arith.constant 100 : i32
      %add3A_40 = arith.constant 96 : i32
      %add3A_41 = vector.broadcast %add3A_40 : i32 to vector<16xi32>
      %add3A_42 = arith.addi %add3A_41, %iota3A : vector<16xi32>
      %ge3A = arith.constant 100 : i32
      %ge3A_43 = vector.broadcast %ge3A : i32 to vector<16xi32>
      %ge3A_44 = arith.cmpi sge, %add3A_42, %ge3A_43 : vector<16xi32>
      %get3A = arith.constant 96 : index
      %get3A_45 = tpu.vector_load %arg10[%get3A] {strides = array<i32>} : memref<128xi32, #tpu.memory_space<vmem>>, vector<16xi32>,
      %jit3A = arith.constant -2147483648 : i32
      %broadcast_in_dim3A = vector.broadcast %jit3A : i32 to vector<16xi32>
      %select_n3A = arith.select %ge3A_44, %broadcast_in_dim3A, %get3A_45 : vector<16xi1>, vector<16xi32>
      %swap3A_46 = arith.constant 96 : index
      %swap3A_47 = tpu.vector_load %arg10[%swap3A_46] {strides = array<i32>} : memref<128xi32, #tpu.memory_space<vmem>>, vector<16xi32>,
      tpu.vector_store %arg10[%swap3A_46], %select_n3A {strides = array<i32>} : memref<128xi32, #tpu.memory_space<vmem>>, vector<16xi32>,
      %get3A_48 = arith.constant 96 : index
      %get3A_49 = tpu.vector_load %arg11[%get3A_48] {strides = array<i32>} : memref<128xi32, #tpu.memory_space<vmem>>, vector<16xi32>,
      %jit3A_50 = arith.constant 0 : i32
      %broadcast_in_dim3A_51 = vector.broadcast %jit3A_50 : i32 to vector<16xi32>
      %select_n3A_52 = arith.select %ge3A_44, %broadcast_in_dim3A_51, %get3A_49 : vector<16xi1>, vector<16xi32>
      %swap3A_53 = arith.constant 96 : index
      %swap3A_54 = tpu.vector_load %arg11[%swap3A_53] {strides = array<i32>} : memref<128xi32, #tpu.memory_space<vmem>>, vector<16xi32>,
      tpu.vector_store %arg11[%swap3A_53], %select_n3A_52 {strides = array<i32>} : memref<128xi32, #tpu.memory_space<vmem>>, vector<16xi32>,
      %add3A_55 = arith.constant 112 : i32
      %add3A_56 = vector.broadcast %add3A_55 : i32 to vector<16xi32>
      %add3A_57 = arith.addi %add3A_56, %iota3A : vector<16xi32>
      %ge3A_58 = arith.constant 100 : i32
      %ge3A_59 = vector.broadcast %ge3A_58 : i32 to vector<16xi32>
      %ge3A_60 = arith.cmpi sge, %add3A_57, %ge3A_59 : vector<16xi32>
      %get3A_61 = arith.constant 112 : index
      %get3A_62 = tpu.vector_load %arg10[%get3A_61] {strides = array<i32>} : memref<128xi32, #tpu.memory_space<vmem>>, vector<16xi32>,
      %jit3A_63 = arith.constant -2147483648 : i32
      %broadcast_in_dim3A_64 = vector.broadcast %jit3A_63 : i32 to vector<16xi32>
      %select_n3A_65 = arith.select %ge3A_60, %broadcast_in_dim3A_64, %get3A_62 : vector<16xi1>, vector<16xi32>
      %swap3A_66 = arith.constant 112 : index
      %swap3A_67 = tpu.vector_load %arg10[%swap3A_66] {strides = array<i32>} : memref<128xi32, #tpu.memory_space<vmem>>, vector<16xi32>,
      tpu.vector_store %arg10[%swap3A_66], %select_n3A_65 {strides = array<i32>} : memref<128xi32, #tpu.memory_space<vmem>>, vector<16xi32>,
      %get3A_68 = arith.constant 112 : index
      %get3A_69 = tpu.vector_load %arg11[%get3A_68] {strides = array<i32>} : memref<128xi32, #tpu.memory_space<vmem>>, vector<16xi32>,
      %jit3A_70 = arith.constant 0 : i32
      %broadcast_in_dim3A_71 = vector.broadcast %jit3A_70 : i32 to vector<16xi32>
      %select_n3A_72 = arith.select %ge3A_60, %broadcast_in_dim3A_71, %get3A_69 : vector<16xi1>, vector<16xi32>
      %swap3A_73 = arith.constant 112 : index
      %swap3A_74 = tpu.vector_load %arg11[%swap3A_73] {strides = array<i32>} : memref<128xi32, #tpu.memory_space<vmem>>, vector<16xi32>,
      tpu.vector_store %arg11[%swap3A_73], %select_n3A_72 {strides = array<i32>} : memref<128xi32, #tpu.memory_space<vmem>>, vector<16xi32>,
      %mul3A_75 = arith.constant 128 : i32
      %mul3A_76 = arith.muli %arg1, %mul3A_75 : i32
      "tpu.region"() ({
        %run_scoped3A = tpu.sem_alloc : memref<!tpu.dma_semaphore, #tpu.memory_space<semaphore_mem>>
        %dma_start3A = tpu.memref_slice %arg12[%mul3A_76] : memref<2048xi32, #tpu.memory_space<vmem_shared>> -> memref<128xi32, #tpu.memory_space<vmem_shared>>
        %dma_start3A_79 = tpu.memref_slice %arg12[%mul3A_76] : memref<2048xi32, #tpu.memory_space<vmem_shared>> -> memref<128xi32, #tpu.memory_space<vmem_shared>>
        tpu.enqueue_dma source(%arg10 : memref<128xi32, #tpu.memory_space<vmem>>) target(%dma_start3A_79 : memref<128xi32, #tpu.memory_space<vmem_shared>>) target_semaphore(%run_scoped3A : memref<!tpu.dma_semaphore, #tpu.memory_space<semaphore_mem>>)
        %dma_wait3A = tpu.memref_slice %arg12[%mul3A_76] : memref<2048xi32, #tpu.memory_space<vmem_shared>> -> memref<128xi32, #tpu.memory_space<vmem_shared>>
        %dma_wait3A_80 = tpu.memref_slice %arg12[%mul3A_76] : memref<2048xi32, #tpu.memory_space<vmem_shared>> -> memref<128xi32, #tpu.memory_space<vmem_shared>>
        tpu.wait_dma2 semaphore(%run_scoped3A : memref<!tpu.dma_semaphore, #tpu.memory_space<semaphore_mem>>) src(%arg10 : memref<128xi32, #tpu.memory_space<vmem>>) dst(%dma_wait3A_80 : memref<128xi32, #tpu.memory_space<vmem_shared>>)
        tpu.yield
      }) : () -> ()
      %mul3A_77 = arith.constant 128 : i32
      %mul3A_78 = arith.muli %arg1, %mul3A_77 : i32
      "tpu.region"() ({
        %run_scoped3A = tpu.sem_alloc : memref<!tpu.dma_semaphore, #tpu.memory_space<semaphore_mem>>
        %dma_start3A = tpu.memref_slice %arg13[%mul3A_78] : memref<2048xi32, #tpu.memory_space<vmem_shared>> -> memref<128xi32, #tpu.memory_space<vmem_shared>>
        %dma_start3A_79 = tpu.memref_slice %arg13[%mul3A_78] : memref<2048xi32, #tpu.memory_space<vmem_shared>> -> memref<128xi32, #tpu.memory_space<vmem_shared>>
        tpu.enqueue_dma source(%arg11 : memref<128xi32, #tpu.memory_space<vmem>>) target(%dma_start3A_79 : memref<128xi32, #tpu.memory_space<vmem_shared>>) target_semaphore(%run_scoped3A : memref<!tpu.dma_semaphore, #tpu.memory_space<semaphore_mem>>)
        %dma_wait3A = tpu.memref_slice %arg13[%mul3A_78] : memref<2048xi32, #tpu.memory_space<vmem_shared>> -> memref<128xi32, #tpu.memory_space<vmem_shared>>
        %dma_wait3A_80 = tpu.memref_slice %arg13[%mul3A_78] : memref<2048xi32, #tpu.memory_space<vmem_shared>> -> memref<128xi32, #tpu.memory_space<vmem_shared>>
        tpu.wait_dma2 semaphore(%run_scoped3A : memref<!tpu.dma_semaphore, #tpu.memory_space<semaphore_mem>>) src(%arg11 : memref<128xi32, #tpu.memory_space<vmem>>) dst(%dma_wait3A_80 : memref<128xi32, #tpu.memory_space<vmem_shared>>)
        tpu.yield
      }) : () -> ()
    } else {
    }
    %barrier3A = arith.constant 0 : index
    tpu.barrier barrier_id(%barrier3A)
    %convert_element_type3A_4 = arith.extui %and3A : i1 to i32
    %cond3A_5 = arith.constant 0 : i32
    %cond3A_6 = arith.cmpi ne, %convert_element_type3A_4, %cond3A_5 : i32
    scf.if %cond3A_6 {
      "tpu.region"() ({
        %run_scoped3A = tpu.sem_alloc : memref<!tpu.dma_semaphore, #tpu.memory_space<semaphore_mem>>
        tpu.enqueue_dma source(%arg12 : memref<2048xi32, #tpu.memory_space<vmem_shared>>) target(%arg14 : memref<2048xi32, #tpu.memory_space<vmem>>) target_semaphore(%run_scoped3A : memref<!tpu.dma_semaphore, #tpu.memory_space<semaphore_mem>>)
        tpu.wait_dma2 semaphore(%run_scoped3A : memref<!tpu.dma_semaphore, #tpu.memory_space<semaphore_mem>>) src(%arg12 : memref<2048xi32, #tpu.memory_space<vmem_shared>>) dst(%arg14 : memref<2048xi32, #tpu.memory_space<vmem>>)
        tpu.yield
      }) : () -> ()
      "tpu.region"() ({
        %run_scoped3A = tpu.sem_alloc : memref<!tpu.dma_semaphore, #tpu.memory_space<semaphore_mem>>
        tpu.enqueue_dma source(%arg13 : memref<2048xi32, #tpu.memory_space<vmem_shared>>) target(%arg15 : memref<2048xi32, #tpu.memory_space<vmem>>) target_semaphore(%run_scoped3A : memref<!tpu.dma_semaphore, #tpu.memory_space<semaphore_mem>>)
        tpu.wait_dma2 semaphore(%run_scoped3A : memref<!tpu.dma_semaphore, #tpu.memory_space<semaphore_mem>>) src(%arg13 : memref<2048xi32, #tpu.memory_space<vmem_shared>>) dst(%arg15 : memref<2048xi32, #tpu.memory_space<vmem>>)
        tpu.yield
      }) : () -> ()
      %mul3A = arith.constant 128 : i32
      %mul3A_7 = vector.broadcast %mul3A : i32 to vector<16xi32>
      %mul3A_8 = arith.muli %iota3A, %mul3A_7 : vector<16xi32>
      %gather3A = tpu.vector_load_idx %arg14[%mul3A_8] : memref<2048xi32, #tpu.memory_space<vmem>>[vector<16xi32>], vector<16xi32>,
      %broadcast_in_dim3A = arith.constant 0 : i32
      %broadcast_in_dim3A_9 = vector.broadcast %broadcast_in_dim3A : i32 to vector<16xi32>
      %scan3A = arith.constant 0 : i32
      %scan3A_10 = arith.constant 100 : i32
      %scan3A_11 = arith.addi %scan3A, %scan3A_10 : i32
      %scan3A_12 = arith.constant 1 : i32
      %scan3A_13:2 = scf.for %scan3A_160 = %scan3A to %scan3A_11 step %scan3A_12 iter_args(%scan3A_161 = %gather3A, %scan3A_162 = %broadcast_in_dim3A_9) -> (vector<16xi32>, vector<16xi32>)  : i32 {
        %reduce_max3A = arith.constant true
        %reduce_max3A_163 = vector.broadcast %reduce_max3A : i1 to vector<16xi1>
        %reduce_max3A_164 = arith.constant -2147483648 : i32
        %reduce_max3A_165 = vector.broadcast %reduce_max3A_164 : i32 to vector<16xi32>
        %reduce_max3A_166 = arith.xori %scan3A_161, %reduce_max3A_165 : vector<16xi32>
        %reduce_max3A_167 = tpu.scan <max>, %reduce_max3A_166 masked %reduce_max3A_163 : vector<16xi32>, vector<16xi1> -> vector<16xi32>
        %reduce_max3A_168 = arith.xori %reduce_max3A_167, %reduce_max3A_165 : vector<16xi32>
        %reduce_max3A_169 = vector.extract %reduce_max3A_168[15] : i32 from vector<16xi32>
        %eq3A_170 = vector.broadcast %reduce_max3A_169 : i32 to vector<16xi32>
        %eq3A_171 = arith.cmpi eq, %scan3A_161, %eq3A_170 : vector<16xi32>
        %jit3A = arith.constant 15 : i32
        %broadcast_in_dim3A_172 = vector.broadcast %jit3A : i32 to vector<16xi32>
        %select_n3A_173 = arith.select %eq3A_171, %iota3A, %broadcast_in_dim3A_172 : vector<16xi1>, vector<16xi32>
        %reduce_min3A = arith.constant true
        %reduce_min3A_174 = vector.broadcast %reduce_min3A : i1 to vector<16xi1>
        %reduce_min3A_175 = arith.constant -2147483648 : i32
        %reduce_min3A_176 = vector.broadcast %reduce_min3A_175 : i32 to vector<16xi32>
        %reduce_min3A_177 = arith.xori %select_n3A_173, %reduce_min3A_176 : vector<16xi32>
        %reduce_min3A_178 = tpu.scan <min>, %reduce_min3A_177 masked %reduce_min3A_174 : vector<16xi32>, vector<16xi1> -> vector<16xi32>
        %reduce_min3A_179 = arith.xori %reduce_min3A_178, %reduce_min3A_176 : vector<16xi32>
        %reduce_min3A_180 = vector.extract %reduce_min3A_179[15] : i32 from vector<16xi32>
        %eq3A_181 = vector.broadcast %reduce_min3A_180 : i32 to vector<16xi32>
        %eq3A_182 = arith.cmpi eq, %iota3A, %eq3A_181 : vector<16xi32>
        %jit3A_183 = arith.constant 126 : i32
        %broadcast_in_dim3A_184 = vector.broadcast %jit3A_183 : i32 to vector<16xi32>
        %select_n3A_185 = arith.select %eq3A_182, %scan3A_162, %broadcast_in_dim3A_184 : vector<16xi1>, vector<16xi32>
        %reduce_min3A_186 = arith.constant true
        %reduce_min3A_187 = vector.broadcast %reduce_min3A_186 : i1 to vector<16xi1>
        %reduce_min3A_188 = arith.constant -2147483648 : i32
        %reduce_min3A_189 = vector.broadcast %reduce_min3A_188 : i32 to vector<16xi32>
        %reduce_min3A_190 = arith.xori %select_n3A_185, %reduce_min3A_189 : vector<16xi32>
        %reduce_min3A_191 = tpu.scan <min>, %reduce_min3A_190 masked %reduce_min3A_187 : vector<16xi32>, vector<16xi1> -> vector<16xi32>
        %reduce_min3A_192 = arith.xori %reduce_min3A_191, %reduce_min3A_189 : vector<16xi32>
        %reduce_min3A_193 = vector.extract %reduce_min3A_192[15] : i32 from vector<16xi32>
        %min3A = arith.constant 126 : i32
        %min3A_194 = arith.minsi %reduce_min3A_193, %min3A : i32
        %mul3A_195 = arith.constant 128 : i32
        %mul3A_196 = arith.muli %reduce_min3A_180, %mul3A_195 : i32
        %add3A = arith.addi %mul3A_196, %min3A_194 : i32
        %get3A_197 = arith.index_cast %add3A : i32 to index
        %get3A_198 = tpu.vector_load %arg15[%get3A_197] {strides = array<i32>} : memref<2048xi32, #tpu.memory_space<vmem>>, vector<16xi32>,
        %slice3A = vector.extract_strided_slice %get3A_198 {offsets = [0], sizes = [1], strides = [1]} : vector<16xi32> to vector<1xi32>
        %squeeze3A = vector.extract %slice3A[0] : i32 from vector<1xi32>
        %mul3A_199 = arith.constant 128 : i32
        %mul3A_200 = arith.muli %reduce_min3A_180, %mul3A_199 : i32
        %add3A_201 = arith.addi %mul3A_200, %min3A_194 : i32
        %add3A_202 = arith.constant 1 : i32
        %add3A_203 = arith.addi %add3A_201, %add3A_202 : i32
        %get3A_204 = arith.index_cast %add3A_203 : i32 to index
        %get3A_205 = tpu.vector_load %arg14[%get3A_204] {strides = array<i32>} : memref<2048xi32, #tpu.memory_space<vmem>>, vector<16xi32>,
        %slice3A_206 = vector.extract_strided_slice %get3A_205 {offsets = [0], sizes = [1], strides = [1]} : vector<16xi32> to vector<1xi32>
        %squeeze3A_207 = vector.extract %slice3A_206[0] : i32 from vector<1xi32>
        %eq3A_208 = vector.broadcast %reduce_min3A_180 : i32 to vector<16xi32>
        %eq3A_209 = arith.cmpi eq, %iota3A, %eq3A_208 : vector<16xi32>
        %broadcast_in_dim3A_210 = vector.broadcast %squeeze3A_207 : i32 to vector<16xi32>
        %select_n3A_211 = arith.select %eq3A_209, %broadcast_in_dim3A_210, %scan3A_161 : vector<16xi1>, vector<16xi32>
        %eq3A_212 = vector.broadcast %reduce_min3A_180 : i32 to vector<16xi32>
        %eq3A_213 = arith.cmpi eq, %iota3A, %eq3A_212 : vector<16xi32>
        %add3A_214 = arith.constant 1 : i32
        %add3A_215 = arith.addi %min3A_194, %add3A_214 : i32
        %broadcast_in_dim3A_216 = vector.broadcast %add3A_215 : i32 to vector<16xi32>
        %select_n3A_217 = arith.select %eq3A_213, %broadcast_in_dim3A_216, %scan3A_162 : vector<16xi1>, vector<16xi32>
        %jit3A_218 = arith.constant 16 : i32
        %div3A = arith.divsi %scan3A_160, %jit3A_218 : i32
        %sign3A = arith.constant 0 : i32
        %sign3A_219 = arith.cmpi sgt, %scan3A_160, %sign3A : i32
        %sign3A_220 = arith.extui %sign3A_219 : i1 to i32
        %sign3A_221 = arith.constant 0 : i32
        %sign3A_222 = arith.cmpi slt, %scan3A_160, %sign3A_221 : i32
        %sign3A_223 = arith.extui %sign3A_222 : i1 to i32
        %sign3A_224 = arith.subi %sign3A_220, %sign3A_223 : i32
        %sign3A_225 = arith.constant 0 : i32
        %sign3A_226 = arith.cmpi sgt, %jit3A_218, %sign3A_225 : i32
        %sign3A_227 = arith.extui %sign3A_226 : i1 to i32
        %sign3A_228 = arith.constant 0 : i32
        %sign3A_229 = arith.cmpi slt, %jit3A_218, %sign3A_228 : i32
        %sign3A_230 = arith.extui %sign3A_229 : i1 to i32
        %sign3A_231 = arith.subi %sign3A_227, %sign3A_230 : i32
        %ne3A = arith.cmpi ne, %sign3A_224, %sign3A_231 : i32
        %rem3A = arith.remsi %scan3A_160, %jit3A_218 : i32
        %ne3A_232 = arith.constant 0 : i32
        %ne3A_233 = arith.cmpi ne, %rem3A, %ne3A_232 : i32
        %and3A_234 = arith.andi %ne3A, %ne3A_233 : i1
        %sub3A = arith.constant 1 : i32
        %sub3A_235 = arith.subi %div3A, %sub3A : i32
        %select_n3A_236 = arith.select %and3A_234, %sub3A_235, %div3A : i32
        %mul3A_237 = arith.constant 16 : i32
        %mul3A_238 = arith.muli %select_n3A_236, %mul3A_237 : i32
        %sub3A_239 = arith.subi %scan3A_160, %mul3A_238 : i32
        %get3A_240 = arith.index_cast %mul3A_238 : i32 to index
        %get3A_241 = tpu.vector_load %arg16[%get3A_240] {strides = array<i32>} : memref<128xi32, #tpu.memory_space<vmem>>, vector<16xi32>,
        %iota3A_242 = tpu.iota {dimensions = array<i32: 0>} : vector<16xi32>
        %eq3A_243 = vector.broadcast %sub3A_239 : i32 to vector<16xi32>
        %eq3A_244 = arith.cmpi eq, %iota3A_242, %eq3A_243 : vector<16xi32>
        %broadcast_in_dim3A_245 = vector.broadcast %reduce_max3A_169 : i32 to vector<16xi32>
        %select_n3A_246 = arith.select %eq3A_244, %broadcast_in_dim3A_245, %get3A_241 : vector<16xi1>, vector<16xi32>
        %swap3A_247 = arith.index_cast %mul3A_238 : i32 to index
        %swap3A_248 = tpu.vector_load %arg16[%swap3A_247] {strides = array<i32>} : memref<128xi32, #tpu.memory_space<vmem>>, vector<16xi32>,
        tpu.vector_store %arg16[%swap3A_247], %select_n3A_246 {strides = array<i32>} : memref<128xi32, #tpu.memory_space<vmem>>, vector<16xi32>,
        %jit3A_249 = arith.constant 16 : i32
        %div3A_250 = arith.divsi %scan3A_160, %jit3A_249 : i32
        %sign3A_251 = arith.constant 0 : i32
        %sign3A_252 = arith.cmpi sgt, %scan3A_160, %sign3A_251 : i32
        %sign3A_253 = arith.extui %sign3A_252 : i1 to i32
        %sign3A_254 = arith.constant 0 : i32
        %sign3A_255 = arith.cmpi slt, %scan3A_160, %sign3A_254 : i32
        %sign3A_256 = arith.extui %sign3A_255 : i1 to i32
        %sign3A_257 = arith.subi %sign3A_253, %sign3A_256 : i32
        %sign3A_258 = arith.constant 0 : i32
        %sign3A_259 = arith.cmpi sgt, %jit3A_249, %sign3A_258 : i32
        %sign3A_260 = arith.extui %sign3A_259 : i1 to i32
        %sign3A_261 = arith.constant 0 : i32
        %sign3A_262 = arith.cmpi slt, %jit3A_249, %sign3A_261 : i32
        %sign3A_263 = arith.extui %sign3A_262 : i1 to i32
        %sign3A_264 = arith.subi %sign3A_260, %sign3A_263 : i32
        %ne3A_265 = arith.cmpi ne, %sign3A_257, %sign3A_264 : i32
        %rem3A_266 = arith.remsi %scan3A_160, %jit3A_249 : i32
        %ne3A_267 = arith.constant 0 : i32
        %ne3A_268 = arith.cmpi ne, %rem3A_266, %ne3A_267 : i32
        %and3A_269 = arith.andi %ne3A_265, %ne3A_268 : i1
        %sub3A_270 = arith.constant 1 : i32
        %sub3A_271 = arith.subi %div3A_250, %sub3A_270 : i32
        %select_n3A_272 = arith.select %and3A_269, %sub3A_271, %div3A_250 : i32
        %mul3A_273 = arith.constant 16 : i32
        %mul3A_274 = arith.muli %select_n3A_272, %mul3A_273 : i32
        %sub3A_275 = arith.subi %scan3A_160, %mul3A_274 : i32
        %get3A_276 = arith.index_cast %mul3A_274 : i32 to index
        %get3A_277 = tpu.vector_load %arg17[%get3A_276] {strides = array<i32>} : memref<128xi32, #tpu.memory_space<vmem>>, vector<16xi32>,
        %iota3A_278 = tpu.iota {dimensions = array<i32: 0>} : vector<16xi32>
        %eq3A_279 = vector.broadcast %sub3A_275 : i32 to vector<16xi32>
        %eq3A_280 = arith.cmpi eq, %iota3A_278, %eq3A_279 : vector<16xi32>
        %broadcast_in_dim3A_281 = vector.broadcast %squeeze3A : i32 to vector<16xi32>
        %select_n3A_282 = arith.select %eq3A_280, %broadcast_in_dim3A_281, %get3A_277 : vector<16xi1>, vector<16xi32>
        %swap3A_283 = arith.index_cast %mul3A_274 : i32 to index
        %swap3A_284 = tpu.vector_load %arg17[%swap3A_283] {strides = array<i32>} : memref<128xi32, #tpu.memory_space<vmem>>, vector<16xi32>,
        tpu.vector_store %arg17[%swap3A_283], %select_n3A_282 {strides = array<i32>} : memref<128xi32, #tpu.memory_space<vmem>>, vector<16xi32>,
        scf.yield %select_n3A_211, %select_n3A_217 : vector<16xi32>, vector<16xi32>
      }
      %scan3A_14 = arith.constant 100 : i32
      %get3A = arith.constant 0 : index
      %get3A_15 = tpu.vector_load %arg17[%get3A] {strides = array<i32>} : memref<128xi32, #tpu.memory_space<vmem>>, vector<16xi32>,
      %shift_right_arithmetic3A = arith.constant 14 : i32
      %shift_right_arithmetic3A_16 = vector.broadcast %shift_right_arithmetic3A : i32 to vector<16xi32>
      %shift_right_arithmetic3A_17 = arith.shrsi %get3A_15, %shift_right_arithmetic3A_16 : vector<16xi32>
      %swap3A = arith.constant 0 : index
      %swap3A_18 = tpu.vector_load %arg18[%swap3A] {strides = array<i32>} : memref<128xi32, #tpu.memory_space<vmem>>, vector<16xi32>,
      tpu.vector_store %arg18[%swap3A], %shift_right_arithmetic3A_17 {strides = array<i32>} : memref<128xi32, #tpu.memory_space<vmem>>, vector<16xi32>,
      %get3A_19 = arith.constant 0 : index
      %get3A_20 = tpu.vector_load %arg16[%get3A_19] {strides = array<i32>} : memref<128xi32, #tpu.memory_space<vmem>>, vector<16xi32>,
      %ge3A = arith.constant 0 : i32
      %ge3A_21 = vector.broadcast %ge3A : i32 to vector<16xi32>
      %ge3A_22 = arith.cmpi sge, %get3A_20, %ge3A_21 : vector<16xi32>
      %xor3A = arith.constant 2147483647 : i32
      %xor3A_23 = vector.broadcast %xor3A : i32 to vector<16xi32>
      %xor3A_24 = arith.xori %get3A_20, %xor3A_23 : vector<16xi32>
      %select_n3A = arith.select %ge3A_22, %get3A_20, %xor3A_24 : vector<16xi1>, vector<16xi32>
      %bitcast3A = vector.bitcast %select_n3A : vector<16xi32> to vector<16xf32>
      %swap3A_25 = arith.constant 0 : index
      %swap3A_26 = tpu.vector_load %arg19[%swap3A_25] {strides = array<i32>} : memref<128xf32, #tpu.memory_space<vmem>>, vector<16xf32>,
      tpu.vector_store %arg19[%swap3A_25], %bitcast3A {strides = array<i32>} : memref<128xf32, #tpu.memory_space<vmem>>, vector<16xf32>,
      %get3A_27 = arith.constant 16 : index
      %get3A_28 = tpu.vector_load %arg17[%get3A_27] {strides = array<i32>} : memref<128xi32, #tpu.memory_space<vmem>>, vector<16xi32>,
      %shift_right_arithmetic3A_29 = arith.constant 14 : i32
      %shift_right_arithmetic3A_30 = vector.broadcast %shift_right_arithmetic3A_29 : i32 to vector<16xi32>
      %shift_right_arithmetic3A_31 = arith.shrsi %get3A_28, %shift_right_arithmetic3A_30 : vector<16xi32>
      %swap3A_32 = arith.constant 16 : index
      %swap3A_33 = tpu.vector_load %arg18[%swap3A_32] {strides = array<i32>} : memref<128xi32, #tpu.memory_space<vmem>>, vector<16xi32>,
      tpu.vector_store %arg18[%swap3A_32], %shift_right_arithmetic3A_31 {strides = array<i32>} : memref<128xi32, #tpu.memory_space<vmem>>, vector<16xi32>,
      %get3A_34 = arith.constant 16 : index
      %get3A_35 = tpu.vector_load %arg16[%get3A_34] {strides = array<i32>} : memref<128xi32, #tpu.memory_space<vmem>>, vector<16xi32>,
      %ge3A_36 = arith.constant 0 : i32
      %ge3A_37 = vector.broadcast %ge3A_36 : i32 to vector<16xi32>
      %ge3A_38 = arith.cmpi sge, %get3A_35, %ge3A_37 : vector<16xi32>
      %xor3A_39 = arith.constant 2147483647 : i32
      %xor3A_40 = vector.broadcast %xor3A_39 : i32 to vector<16xi32>
      %xor3A_41 = arith.xori %get3A_35, %xor3A_40 : vector<16xi32>
      %select_n3A_42 = arith.select %ge3A_38, %get3A_35, %xor3A_41 : vector<16xi1>, vector<16xi32>
      %bitcast3A_43 = vector.bitcast %select_n3A_42 : vector<16xi32> to vector<16xf32>
      %swap3A_44 = arith.constant 16 : index
      %swap3A_45 = tpu.vector_load %arg19[%swap3A_44] {strides = array<i32>} : memref<128xf32, #tpu.memory_space<vmem>>, vector<16xf32>,
      tpu.vector_store %arg19[%swap3A_44], %bitcast3A_43 {strides = array<i32>} : memref<128xf32, #tpu.memory_space<vmem>>, vector<16xf32>,
      %get3A_46 = arith.constant 32 : index
      %get3A_47 = tpu.vector_load %arg17[%get3A_46] {strides = array<i32>} : memref<128xi32, #tpu.memory_space<vmem>>, vector<16xi32>,
      %shift_right_arithmetic3A_48 = arith.constant 14 : i32
      %shift_right_arithmetic3A_49 = vector.broadcast %shift_right_arithmetic3A_48 : i32 to vector<16xi32>
      %shift_right_arithmetic3A_50 = arith.shrsi %get3A_47, %shift_right_arithmetic3A_49 : vector<16xi32>
      %swap3A_51 = arith.constant 32 : index
      %swap3A_52 = tpu.vector_load %arg18[%swap3A_51] {strides = array<i32>} : memref<128xi32, #tpu.memory_space<vmem>>, vector<16xi32>,
      tpu.vector_store %arg18[%swap3A_51], %shift_right_arithmetic3A_50 {strides = array<i32>} : memref<128xi32, #tpu.memory_space<vmem>>, vector<16xi32>,
      %get3A_53 = arith.constant 32 : index
      %get3A_54 = tpu.vector_load %arg16[%get3A_53] {strides = array<i32>} : memref<128xi32, #tpu.memory_space<vmem>>, vector<16xi32>,
      %ge3A_55 = arith.constant 0 : i32
      %ge3A_56 = vector.broadcast %ge3A_55 : i32 to vector<16xi32>
      %ge3A_57 = arith.cmpi sge, %get3A_54, %ge3A_56 : vector<16xi32>
      %xor3A_58 = arith.constant 2147483647 : i32
      %xor3A_59 = vector.broadcast %xor3A_58 : i32 to vector<16xi32>
      %xor3A_60 = arith.xori %get3A_54, %xor3A_59 : vector<16xi32>
      %select_n3A_61 = arith.select %ge3A_57, %get3A_54, %xor3A_60 : vector<16xi1>, vector<16xi32>
      %bitcast3A_62 = vector.bitcast %select_n3A_61 : vector<16xi32> to vector<16xf32>
      %swap3A_63 = arith.constant 32 : index
      %swap3A_64 = tpu.vector_load %arg19[%swap3A_63] {strides = array<i32>} : memref<128xf32, #tpu.memory_space<vmem>>, vector<16xf32>,
      tpu.vector_store %arg19[%swap3A_63], %bitcast3A_62 {strides = array<i32>} : memref<128xf32, #tpu.memory_space<vmem>>, vector<16xf32>,
      %get3A_65 = arith.constant 48 : index
      %get3A_66 = tpu.vector_load %arg17[%get3A_65] {strides = array<i32>} : memref<128xi32, #tpu.memory_space<vmem>>, vector<16xi32>,
      %shift_right_arithmetic3A_67 = arith.constant 14 : i32
      %shift_right_arithmetic3A_68 = vector.broadcast %shift_right_arithmetic3A_67 : i32 to vector<16xi32>
      %shift_right_arithmetic3A_69 = arith.shrsi %get3A_66, %shift_right_arithmetic3A_68 : vector<16xi32>
      %swap3A_70 = arith.constant 48 : index
      %swap3A_71 = tpu.vector_load %arg18[%swap3A_70] {strides = array<i32>} : memref<128xi32, #tpu.memory_space<vmem>>, vector<16xi32>,
      tpu.vector_store %arg18[%swap3A_70], %shift_right_arithmetic3A_69 {strides = array<i32>} : memref<128xi32, #tpu.memory_space<vmem>>, vector<16xi32>,
      %get3A_72 = arith.constant 48 : index
      %get3A_73 = tpu.vector_load %arg16[%get3A_72] {strides = array<i32>} : memref<128xi32, #tpu.memory_space<vmem>>, vector<16xi32>,
      %ge3A_74 = arith.constant 0 : i32
      %ge3A_75 = vector.broadcast %ge3A_74 : i32 to vector<16xi32>
      %ge3A_76 = arith.cmpi sge, %get3A_73, %ge3A_75 : vector<16xi32>
      %xor3A_77 = arith.constant 2147483647 : i32
      %xor3A_78 = vector.broadcast %xor3A_77 : i32 to vector<16xi32>
      %xor3A_79 = arith.xori %get3A_73, %xor3A_78 : vector<16xi32>
      %select_n3A_80 = arith.select %ge3A_76, %get3A_73, %xor3A_79 : vector<16xi1>, vector<16xi32>
      %bitcast3A_81 = vector.bitcast %select_n3A_80 : vector<16xi32> to vector<16xf32>
      %swap3A_82 = arith.constant 48 : index
      %swap3A_83 = tpu.vector_load %arg19[%swap3A_82] {strides = array<i32>} : memref<128xf32, #tpu.memory_space<vmem>>, vector<16xf32>,
      tpu.vector_store %arg19[%swap3A_82], %bitcast3A_81 {strides = array<i32>} : memref<128xf32, #tpu.memory_space<vmem>>, vector<16xf32>,
      %get3A_84 = arith.constant 64 : index
      %get3A_85 = tpu.vector_load %arg17[%get3A_84] {strides = array<i32>} : memref<128xi32, #tpu.memory_space<vmem>>, vector<16xi32>,
      %shift_right_arithmetic3A_86 = arith.constant 14 : i32
      %shift_right_arithmetic3A_87 = vector.broadcast %shift_right_arithmetic3A_86 : i32 to vector<16xi32>
      %shift_right_arithmetic3A_88 = arith.shrsi %get3A_85, %shift_right_arithmetic3A_87 : vector<16xi32>
      %swap3A_89 = arith.constant 64 : index
      %swap3A_90 = tpu.vector_load %arg18[%swap3A_89] {strides = array<i32>} : memref<128xi32, #tpu.memory_space<vmem>>, vector<16xi32>,
      tpu.vector_store %arg18[%swap3A_89], %shift_right_arithmetic3A_88 {strides = array<i32>} : memref<128xi32, #tpu.memory_space<vmem>>, vector<16xi32>,
      %get3A_91 = arith.constant 64 : index
      %get3A_92 = tpu.vector_load %arg16[%get3A_91] {strides = array<i32>} : memref<128xi32, #tpu.memory_space<vmem>>, vector<16xi32>,
      %ge3A_93 = arith.constant 0 : i32
      %ge3A_94 = vector.broadcast %ge3A_93 : i32 to vector<16xi32>
      %ge3A_95 = arith.cmpi sge, %get3A_92, %ge3A_94 : vector<16xi32>
      %xor3A_96 = arith.constant 2147483647 : i32
      %xor3A_97 = vector.broadcast %xor3A_96 : i32 to vector<16xi32>
      %xor3A_98 = arith.xori %get3A_92, %xor3A_97 : vector<16xi32>
      %select_n3A_99 = arith.select %ge3A_95, %get3A_92, %xor3A_98 : vector<16xi1>, vector<16xi32>
      %bitcast3A_100 = vector.bitcast %select_n3A_99 : vector<16xi32> to vector<16xf32>
      %swap3A_101 = arith.constant 64 : index
      %swap3A_102 = tpu.vector_load %arg19[%swap3A_101] {strides = array<i32>} : memref<128xf32, #tpu.memory_space<vmem>>, vector<16xf32>,
      tpu.vector_store %arg19[%swap3A_101], %bitcast3A_100 {strides = array<i32>} : memref<128xf32, #tpu.memory_space<vmem>>, vector<16xf32>,
      %get3A_103 = arith.constant 80 : index
      %get3A_104 = tpu.vector_load %arg17[%get3A_103] {strides = array<i32>} : memref<128xi32, #tpu.memory_space<vmem>>, vector<16xi32>,
      %shift_right_arithmetic3A_105 = arith.constant 14 : i32
      %shift_right_arithmetic3A_106 = vector.broadcast %shift_right_arithmetic3A_105 : i32 to vector<16xi32>
      %shift_right_arithmetic3A_107 = arith.shrsi %get3A_104, %shift_right_arithmetic3A_106 : vector<16xi32>
      %swap3A_108 = arith.constant 80 : index
      %swap3A_109 = tpu.vector_load %arg18[%swap3A_108] {strides = array<i32>} : memref<128xi32, #tpu.memory_space<vmem>>, vector<16xi32>,
      tpu.vector_store %arg18[%swap3A_108], %shift_right_arithmetic3A_107 {strides = array<i32>} : memref<128xi32, #tpu.memory_space<vmem>>, vector<16xi32>,
      %get3A_110 = arith.constant 80 : index
      %get3A_111 = tpu.vector_load %arg16[%get3A_110] {strides = array<i32>} : memref<128xi32, #tpu.memory_space<vmem>>, vector<16xi32>,
      %ge3A_112 = arith.constant 0 : i32
      %ge3A_113 = vector.broadcast %ge3A_112 : i32 to vector<16xi32>
      %ge3A_114 = arith.cmpi sge, %get3A_111, %ge3A_113 : vector<16xi32>
      %xor3A_115 = arith.constant 2147483647 : i32
      %xor3A_116 = vector.broadcast %xor3A_115 : i32 to vector<16xi32>
      %xor3A_117 = arith.xori %get3A_111, %xor3A_116 : vector<16xi32>
      %select_n3A_118 = arith.select %ge3A_114, %get3A_111, %xor3A_117 : vector<16xi1>, vector<16xi32>
      %bitcast3A_119 = vector.bitcast %select_n3A_118 : vector<16xi32> to vector<16xf32>
      %swap3A_120 = arith.constant 80 : index
      %swap3A_121 = tpu.vector_load %arg19[%swap3A_120] {strides = array<i32>} : memref<128xf32, #tpu.memory_space<vmem>>, vector<16xf32>,
      tpu.vector_store %arg19[%swap3A_120], %bitcast3A_119 {strides = array<i32>} : memref<128xf32, #tpu.memory_space<vmem>>, vector<16xf32>,
      %get3A_122 = arith.constant 96 : index
      %get3A_123 = tpu.vector_load %arg17[%get3A_122] {strides = array<i32>} : memref<128xi32, #tpu.memory_space<vmem>>, vector<16xi32>,
      %shift_right_arithmetic3A_124 = arith.constant 14 : i32
      %shift_right_arithmetic3A_125 = vector.broadcast %shift_right_arithmetic3A_124 : i32 to vector<16xi32>
      %shift_right_arithmetic3A_126 = arith.shrsi %get3A_123, %shift_right_arithmetic3A_125 : vector<16xi32>
      %swap3A_127 = arith.constant 96 : index
      %swap3A_128 = tpu.vector_load %arg18[%swap3A_127] {strides = array<i32>} : memref<128xi32, #tpu.memory_space<vmem>>, vector<16xi32>,
      tpu.vector_store %arg18[%swap3A_127], %shift_right_arithmetic3A_126 {strides = array<i32>} : memref<128xi32, #tpu.memory_space<vmem>>, vector<16xi32>,
      %get3A_129 = arith.constant 96 : index
      %get3A_130 = tpu.vector_load %arg16[%get3A_129] {strides = array<i32>} : memref<128xi32, #tpu.memory_space<vmem>>, vector<16xi32>,
      %ge3A_131 = arith.constant 0 : i32
      %ge3A_132 = vector.broadcast %ge3A_131 : i32 to vector<16xi32>
      %ge3A_133 = arith.cmpi sge, %get3A_130, %ge3A_132 : vector<16xi32>
      %xor3A_134 = arith.constant 2147483647 : i32
      %xor3A_135 = vector.broadcast %xor3A_134 : i32 to vector<16xi32>
      %xor3A_136 = arith.xori %get3A_130, %xor3A_135 : vector<16xi32>
      %select_n3A_137 = arith.select %ge3A_133, %get3A_130, %xor3A_136 : vector<16xi1>, vector<16xi32>
      %bitcast3A_138 = vector.bitcast %select_n3A_137 : vector<16xi32> to vector<16xf32>
      %swap3A_139 = arith.constant 96 : index
      %swap3A_140 = tpu.vector_load %arg19[%swap3A_139] {strides = array<i32>} : memref<128xf32, #tpu.memory_space<vmem>>, vector<16xf32>,
      tpu.vector_store %arg19[%swap3A_139], %bitcast3A_138 {strides = array<i32>} : memref<128xf32, #tpu.memory_space<vmem>>, vector<16xf32>,
      %get3A_141 = arith.constant 112 : index
      %get3A_142 = tpu.vector_load %arg17[%get3A_141] {strides = array<i32>} : memref<128xi32, #tpu.memory_space<vmem>>, vector<16xi32>,
      %shift_right_arithmetic3A_143 = arith.constant 14 : i32
      %shift_right_arithmetic3A_144 = vector.broadcast %shift_right_arithmetic3A_143 : i32 to vector<16xi32>
      %shift_right_arithmetic3A_145 = arith.shrsi %get3A_142, %shift_right_arithmetic3A_144 : vector<16xi32>
      %swap3A_146 = arith.constant 112 : index
      %swap3A_147 = tpu.vector_load %arg18[%swap3A_146] {strides = array<i32>} : memref<128xi32, #tpu.memory_space<vmem>>, vector<16xi32>,
      tpu.vector_store %arg18[%swap3A_146], %shift_right_arithmetic3A_145 {strides = array<i32>} : memref<128xi32, #tpu.memory_space<vmem>>, vector<16xi32>,
      %get3A_148 = arith.constant 112 : index
      %get3A_149 = tpu.vector_load %arg16[%get3A_148] {strides = array<i32>} : memref<128xi32, #tpu.memory_space<vmem>>, vector<16xi32>,
      %ge3A_150 = arith.constant 0 : i32
      %ge3A_151 = vector.broadcast %ge3A_150 : i32 to vector<16xi32>
      %ge3A_152 = arith.cmpi sge, %get3A_149, %ge3A_151 : vector<16xi32>
      %xor3A_153 = arith.constant 2147483647 : i32
      %xor3A_154 = vector.broadcast %xor3A_153 : i32 to vector<16xi32>
      %xor3A_155 = arith.xori %get3A_149, %xor3A_154 : vector<16xi32>
      %select_n3A_156 = arith.select %ge3A_152, %get3A_149, %xor3A_155 : vector<16xi1>, vector<16xi32>
      %bitcast3A_157 = vector.bitcast %select_n3A_156 : vector<16xi32> to vector<16xf32>
      %swap3A_158 = arith.constant 112 : index
      %swap3A_159 = tpu.vector_load %arg19[%swap3A_158] {strides = array<i32>} : memref<128xf32, #tpu.memory_space<vmem>>, vector<16xf32>,
      tpu.vector_store %arg19[%swap3A_158], %bitcast3A_157 {strides = array<i32>} : memref<128xf32, #tpu.memory_space<vmem>>, vector<16xf32>,
      "tpu.region"() ({
        %run_scoped3A = tpu.sem_alloc : memref<!tpu.dma_semaphore, #tpu.memory_space<semaphore_mem>>
        tpu.enqueue_dma source(%arg18 : memref<128xi32, #tpu.memory_space<vmem>>) target(%arg3 : memref<128xi32, #tpu.memory_space<hbm>>) target_semaphore(%run_scoped3A : memref<!tpu.dma_semaphore, #tpu.memory_space<semaphore_mem>>)
        tpu.wait_dma2 semaphore(%run_scoped3A : memref<!tpu.dma_semaphore, #tpu.memory_space<semaphore_mem>>) src(%arg18 : memref<128xi32, #tpu.memory_space<vmem>>) dst(%arg3 : memref<128xi32, #tpu.memory_space<hbm>>)
        tpu.yield
      }) : () -> ()
      "tpu.region"() ({
        %run_scoped3A = tpu.sem_alloc : memref<!tpu.dma_semaphore, #tpu.memory_space<semaphore_mem>>
        tpu.enqueue_dma source(%arg17 : memref<128xi32, #tpu.memory_space<vmem>>) target(%arg4 : memref<128xi32, #tpu.memory_space<hbm>>) target_semaphore(%run_scoped3A : memref<!tpu.dma_semaphore, #tpu.memory_space<semaphore_mem>>)
        tpu.wait_dma2 semaphore(%run_scoped3A : memref<!tpu.dma_semaphore, #tpu.memory_space<semaphore_mem>>) src(%arg17 : memref<128xi32, #tpu.memory_space<vmem>>) dst(%arg4 : memref<128xi32, #tpu.memory_space<hbm>>)
        tpu.yield
      }) : () -> ()
      "tpu.region"() ({
        %run_scoped3A = tpu.sem_alloc : memref<!tpu.dma_semaphore, #tpu.memory_space<semaphore_mem>>
        tpu.enqueue_dma source(%arg19 : memref<128xf32, #tpu.memory_space<vmem>>) target(%arg5 : memref<128xf32, #tpu.memory_space<hbm>>) target_semaphore(%run_scoped3A : memref<!tpu.dma_semaphore, #tpu.memory_space<semaphore_mem>>)
        tpu.wait_dma2 semaphore(%run_scoped3A : memref<!tpu.dma_semaphore, #tpu.memory_space<semaphore_mem>>) src(%arg19 : memref<128xf32, #tpu.memory_space<vmem>>) dst(%arg5 : memref<128xf32, #tpu.memory_space<hbm>>)
        tpu.yield
      }) : () -> ()
    } else {
    }
    return
  }
}

module attributes {stable_mosaic.version = 14 : i64} {
  func.func @_boxes_kernel(%arg0: memref<1x128xi32, #tpu.memory_space<vmem>>, %arg1: memref<2048x128xf32, #tpu.memory_space<vmem>>, %arg2: memref<2048x128xf32, #tpu.memory_space<vmem>>, %arg3: memref<128x4xf32, #tpu.memory_space<vmem>>) attributes {dimension_semantics = [], scalar_prefetch = 0 : i64, scratch_operands = 0 : i64, tpu.core_type = #tpu.core_type<tc>} {
    %get3A = arith.constant 0 : index
    %get3A_0 = arith.constant 0 : index
    %get3A_1 = vector.load %arg0[%get3A, %get3A_0] : memref<1x128xi32, #tpu.memory_space<vmem>>, vector<1x128xi32>
    %transpose3A = tpu.transpose %get3A_1, [1, 0] : vector<1x128xi32> -> vector<128x1xi32>
    %jit3A = arith.constant 16384 : i32
    %div3A = vector.broadcast %jit3A : i32 to vector<128x1xi32>
    %div3A_2 = arith.divsi %transpose3A, %div3A : vector<128x1xi32>
    %sign3A = arith.constant 0 : i32
    %sign3A_3 = vector.broadcast %sign3A : i32 to vector<128x1xi32>
    %sign3A_4 = arith.cmpi sgt, %transpose3A, %sign3A_3 : vector<128x1xi32>
    %sign3A_5 = arith.extui %sign3A_4 : vector<128x1xi1> to vector<128x1xi32>
    %sign3A_6 = arith.constant 0 : i32
    %sign3A_7 = vector.broadcast %sign3A_6 : i32 to vector<128x1xi32>
    %sign3A_8 = arith.cmpi slt, %transpose3A, %sign3A_7 : vector<128x1xi32>
    %sign3A_9 = arith.extui %sign3A_8 : vector<128x1xi1> to vector<128x1xi32>
    %sign3A_10 = arith.subi %sign3A_5, %sign3A_9 : vector<128x1xi32>
    %sign3A_11 = arith.constant 0 : i32
    %sign3A_12 = arith.cmpi sgt, %jit3A, %sign3A_11 : i32
    %sign3A_13 = arith.extui %sign3A_12 : i1 to i32
    %sign3A_14 = arith.constant 0 : i32
    %sign3A_15 = arith.cmpi slt, %jit3A, %sign3A_14 : i32
    %sign3A_16 = arith.extui %sign3A_15 : i1 to i32
    %sign3A_17 = arith.subi %sign3A_13, %sign3A_16 : i32
    %ne3A = vector.broadcast %sign3A_17 : i32 to vector<128x1xi32>
    %ne3A_18 = arith.cmpi ne, %sign3A_10, %ne3A : vector<128x1xi32>
    %rem3A = vector.broadcast %jit3A : i32 to vector<128x1xi32>
    %rem3A_19 = arith.remsi %transpose3A, %rem3A : vector<128x1xi32>
    %ne3A_20 = arith.constant 0 : i32
    %ne3A_21 = vector.broadcast %ne3A_20 : i32 to vector<128x1xi32>
    %ne3A_22 = arith.cmpi ne, %rem3A_19, %ne3A_21 : vector<128x1xi32>
    %and3A = arith.andi %ne3A_18, %ne3A_22 : vector<128x1xi1>
    %sub3A = arith.constant 1 : i32
    %sub3A_23 = vector.broadcast %sub3A : i32 to vector<128x1xi32>
    %sub3A_24 = arith.subi %div3A_2, %sub3A_23 : vector<128x1xi32>
    %select_n3A = arith.select %and3A, %sub3A_24, %div3A_2 : vector<128x1xi1>, vector<128x1xi32>
    %mul3A = arith.constant 16384 : i32
    %mul3A_25 = vector.broadcast %mul3A : i32 to vector<128x1xi32>
    %mul3A_26 = arith.muli %select_n3A, %mul3A_25 : vector<128x1xi32>
    %sub3A_27 = arith.subi %transpose3A, %mul3A_26 : vector<128x1xi32>
    %jit3A_28 = arith.constant 128 : i32
    %div3A_29 = vector.broadcast %jit3A_28 : i32 to vector<128x1xi32>
    %div3A_30 = arith.divsi %sub3A_27, %div3A_29 : vector<128x1xi32>
    %sign3A_31 = arith.constant 0 : i32
    %sign3A_32 = vector.broadcast %sign3A_31 : i32 to vector<128x1xi32>
    %sign3A_33 = arith.cmpi sgt, %sub3A_27, %sign3A_32 : vector<128x1xi32>
    %sign3A_34 = arith.extui %sign3A_33 : vector<128x1xi1> to vector<128x1xi32>
    %sign3A_35 = arith.constant 0 : i32
    %sign3A_36 = vector.broadcast %sign3A_35 : i32 to vector<128x1xi32>
    %sign3A_37 = arith.cmpi slt, %sub3A_27, %sign3A_36 : vector<128x1xi32>
    %sign3A_38 = arith.extui %sign3A_37 : vector<128x1xi1> to vector<128x1xi32>
    %sign3A_39 = arith.subi %sign3A_34, %sign3A_38 : vector<128x1xi32>
    %sign3A_40 = arith.constant 0 : i32
    %sign3A_41 = arith.cmpi sgt, %jit3A_28, %sign3A_40 : i32
    %sign3A_42 = arith.extui %sign3A_41 : i1 to i32
    %sign3A_43 = arith.constant 0 : i32
    %sign3A_44 = arith.cmpi slt, %jit3A_28, %sign3A_43 : i32
    %sign3A_45 = arith.extui %sign3A_44 : i1 to i32
    %sign3A_46 = arith.subi %sign3A_42, %sign3A_45 : i32
    %ne3A_47 = vector.broadcast %sign3A_46 : i32 to vector<128x1xi32>
    %ne3A_48 = arith.cmpi ne, %sign3A_39, %ne3A_47 : vector<128x1xi32>
    %rem3A_49 = vector.broadcast %jit3A_28 : i32 to vector<128x1xi32>
    %rem3A_50 = arith.remsi %sub3A_27, %rem3A_49 : vector<128x1xi32>
    %ne3A_51 = arith.constant 0 : i32
    %ne3A_52 = vector.broadcast %ne3A_51 : i32 to vector<128x1xi32>
    %ne3A_53 = arith.cmpi ne, %rem3A_50, %ne3A_52 : vector<128x1xi32>
    %and3A_54 = arith.andi %ne3A_48, %ne3A_53 : vector<128x1xi1>
    %sub3A_55 = arith.constant 1 : i32
    %sub3A_56 = vector.broadcast %sub3A_55 : i32 to vector<128x1xi32>
    %sub3A_57 = arith.subi %div3A_30, %sub3A_56 : vector<128x1xi32>
    %select_n3A_58 = arith.select %and3A_54, %sub3A_57, %div3A_30 : vector<128x1xi1>, vector<128x1xi32>
    %mul3A_59 = arith.constant 128 : i32
    %mul3A_60 = vector.broadcast %mul3A_59 : i32 to vector<128x1xi32>
    %mul3A_61 = arith.muli %select_n3A_58, %mul3A_60 : vector<128x1xi32>
    %sub3A_62 = arith.subi %sub3A_27, %mul3A_61 : vector<128x1xi32>
    %mul3A_63 = arith.constant 256 : i32
    %mul3A_64 = vector.broadcast %mul3A_63 : i32 to vector<128x1xi32>
    %mul3A_65 = arith.muli %select_n3A, %mul3A_64 : vector<128x1xi32>
    %add3A = arith.addi %mul3A_65, %select_n3A_58 : vector<128x1xi32>
    %iota3A = tpu.iota {dimensions = array<i32: 1>} : vector<128x2048xi32>
    %eq3A = vector.broadcast %add3A : vector<128x1xi32> to vector<128x2048xi32>
    %eq3A_66 = arith.cmpi eq, %iota3A, %eq3A : vector<128x2048xi32>
    %convert_element_type3A = arith.extui %eq3A_66 : vector<128x2048xi1> to vector<128x2048xi32>
    %convert_element_type3A_67 = arith.sitofp %convert_element_type3A : vector<128x2048xi32> to vector<128x2048xf32>
    %add3A_68 = arith.constant 128 : i32
    %add3A_69 = vector.broadcast %add3A_68 : i32 to vector<128x1xi32>
    %add3A_70 = arith.addi %add3A, %add3A_69 : vector<128x1xi32>
    %eq3A_71 = vector.broadcast %add3A_70 : vector<128x1xi32> to vector<128x2048xi32>
    %eq3A_72 = arith.cmpi eq, %iota3A, %eq3A_71 : vector<128x2048xi32>
    %convert_element_type3A_73 = arith.extui %eq3A_72 : vector<128x2048xi1> to vector<128x2048xi32>
    %convert_element_type3A_74 = arith.sitofp %convert_element_type3A_73 : vector<128x2048xi32> to vector<128x2048xf32>
    %get3A_75 = arith.constant 0 : index
    %get3A_76 = arith.constant 0 : index
    %get3A_77 = vector.load %arg1[%get3A_75, %get3A_76] : memref<2048x128xf32, #tpu.memory_space<vmem>>, vector<2048x128xf32>
    %dot_general3A = arith.constant dense<0.000000e+00> : vector<128x128xf32>
    %dot_general3A_78 = tpu.matmul %convert_element_type3A_67, %get3A_77, %dot_general3A {dimension_numbers = #tpu.dot_dimension_numbers<[1], [0], [0], [1], [0, 0, 1, 1], [], []>, precision = #tpu.contract_precision<fp32>, transpose_lhs_hint = false} : vector<128x2048xf32>, vector<2048x128xf32>, vector<128x128xf32> -> vector<128x128xf32>
    %get3A_79 = arith.constant 0 : index
    %get3A_80 = arith.constant 0 : index
    %get3A_81 = vector.load %arg1[%get3A_79, %get3A_80] : memref<2048x128xf32, #tpu.memory_space<vmem>>, vector<2048x128xf32>
    %dot_general3A_82 = arith.constant dense<0.000000e+00> : vector<128x128xf32>
    %dot_general3A_83 = tpu.matmul %convert_element_type3A_74, %get3A_81, %dot_general3A_82 {dimension_numbers = #tpu.dot_dimension_numbers<[1], [0], [0], [1], [0, 0, 1, 1], [], []>, precision = #tpu.contract_precision<fp32>, transpose_lhs_hint = false} : vector<128x2048xf32>, vector<2048x128xf32>, vector<128x128xf32> -> vector<128x128xf32>
    %get3A_84 = arith.constant 0 : index
    %get3A_85 = arith.constant 0 : index
    %get3A_86 = vector.load %arg2[%get3A_84, %get3A_85] : memref<2048x128xf32, #tpu.memory_space<vmem>>, vector<2048x128xf32>
    %dot_general3A_87 = arith.constant dense<0.000000e+00> : vector<128x128xf32>
    %dot_general3A_88 = tpu.matmul %convert_element_type3A_67, %get3A_86, %dot_general3A_87 {dimension_numbers = #tpu.dot_dimension_numbers<[1], [0], [0], [1], [0, 0, 1, 1], [], []>, precision = #tpu.contract_precision<fp32>, transpose_lhs_hint = false} : vector<128x2048xf32>, vector<2048x128xf32>, vector<128x128xf32> -> vector<128x128xf32>
    %get3A_89 = arith.constant 0 : index
    %get3A_90 = arith.constant 0 : index
    %get3A_91 = vector.load %arg2[%get3A_89, %get3A_90] : memref<2048x128xf32, #tpu.memory_space<vmem>>, vector<2048x128xf32>
    %dot_general3A_92 = arith.constant dense<0.000000e+00> : vector<128x128xf32>
    %dot_general3A_93 = tpu.matmul %convert_element_type3A_74, %get3A_91, %dot_general3A_92 {dimension_numbers = #tpu.dot_dimension_numbers<[1], [0], [0], [1], [0, 0, 1, 1], [], []>, precision = #tpu.contract_precision<fp32>, transpose_lhs_hint = false} : vector<128x2048xf32>, vector<2048x128xf32>, vector<128x128xf32> -> vector<128x128xf32>
    %iota3A_94 = tpu.iota {dimensions = array<i32: 1>} : vector<128x128xi32>
    %eq3A_95 = vector.broadcast %sub3A_62 : vector<128x1xi32> to vector<128x128xi32>
    %eq3A_96 = arith.cmpi eq, %iota3A_94, %eq3A_95 : vector<128x128xi32>
    %broadcast_in_dim3A = arith.constant 0.000000e+00 : f32
    %broadcast_in_dim3A_97 = vector.broadcast %broadcast_in_dim3A : f32 to vector<128x128xf32>
    %select_n3A_98 = arith.select %eq3A_96, %dot_general3A_78, %broadcast_in_dim3A_97 : vector<128x128xi1>, vector<128x128xf32>
    %reduce_sum3A = arith.constant dense<0.000000e+00> : vector<128xf32>
    %reduce_sum3A_99 = vector.multi_reduction <add>, %select_n3A_98, %reduce_sum3A [1] : vector<128x128xf32> to vector<128xf32>
    %broadcast_in_dim3A_100 = vector.shape_cast %reduce_sum3A_99 : vector<128xf32> to vector<128x1xf32>
    %select_n3A_101 = arith.select %eq3A_96, %dot_general3A_83, %broadcast_in_dim3A_97 : vector<128x128xi1>, vector<128x128xf32>
    %reduce_sum3A_102 = arith.constant dense<0.000000e+00> : vector<128xf32>
    %reduce_sum3A_103 = vector.multi_reduction <add>, %select_n3A_101, %reduce_sum3A_102 [1] : vector<128x128xf32> to vector<128xf32>
    %broadcast_in_dim3A_104 = vector.shape_cast %reduce_sum3A_103 : vector<128xf32> to vector<128x1xf32>
    %select_n3A_105 = arith.select %eq3A_96, %dot_general3A_88, %broadcast_in_dim3A_97 : vector<128x128xi1>, vector<128x128xf32>
    %reduce_sum3A_106 = arith.constant dense<0.000000e+00> : vector<128xf32>
    %reduce_sum3A_107 = vector.multi_reduction <add>, %select_n3A_105, %reduce_sum3A_106 [1] : vector<128x128xf32> to vector<128xf32>
    %broadcast_in_dim3A_108 = vector.shape_cast %reduce_sum3A_107 : vector<128xf32> to vector<128x1xf32>
    %select_n3A_109 = arith.select %eq3A_96, %dot_general3A_93, %broadcast_in_dim3A_97 : vector<128x128xi1>, vector<128x128xf32>
    %reduce_sum3A_110 = arith.constant dense<0.000000e+00> : vector<128xf32>
    %reduce_sum3A_111 = vector.multi_reduction <add>, %select_n3A_109, %reduce_sum3A_110 [1] : vector<128x128xf32> to vector<128xf32>
    %broadcast_in_dim3A_112 = vector.shape_cast %reduce_sum3A_111 : vector<128xf32> to vector<128x1xf32>
    %convert_element_type3A_113 = arith.sitofp %sub3A_62 : vector<128x1xi32> to vector<128x1xf32>
    %add3A_114 = arith.addf %broadcast_in_dim3A_108, %convert_element_type3A_113 : vector<128x1xf32>
    %div3A_115 = arith.constant 1.280000e+02 : f32
    %div3A_116 = vector.broadcast %div3A_115 : f32 to vector<128x1xf32>
    %div3A_117 = arith.divf %add3A_114, %div3A_116 : vector<128x1xf32>
    %convert_element_type3A_118 = arith.sitofp %select_n3A_58 : vector<128x1xi32> to vector<128x1xf32>
    %add3A_119 = arith.addf %broadcast_in_dim3A_112, %convert_element_type3A_118 : vector<128x1xf32>
    %div3A_120 = arith.constant 1.280000e+02 : f32
    %div3A_121 = vector.broadcast %div3A_120 : f32 to vector<128x1xf32>
    %div3A_122 = arith.divf %add3A_119, %div3A_121 : vector<128x1xf32>
    %mul3A_123 = arith.constant 5.000000e-01 : f32
    %mul3A_124 = vector.broadcast %mul3A_123 : f32 to vector<128x1xf32>
    %mul3A_125 = arith.mulf %broadcast_in_dim3A_100, %mul3A_124 : vector<128x1xf32>
    %sub3A_126 = arith.subf %div3A_117, %mul3A_125 : vector<128x1xf32>
    %mul3A_127 = arith.constant 5.000000e-01 : f32
    %mul3A_128 = vector.broadcast %mul3A_127 : f32 to vector<128x1xf32>
    %mul3A_129 = arith.mulf %broadcast_in_dim3A_104, %mul3A_128 : vector<128x1xf32>
    %sub3A_130 = arith.subf %div3A_122, %mul3A_129 : vector<128x1xf32>
    %mul3A_131 = arith.constant 5.000000e-01 : f32
    %mul3A_132 = vector.broadcast %mul3A_131 : f32 to vector<128x1xf32>
    %mul3A_133 = arith.mulf %broadcast_in_dim3A_100, %mul3A_132 : vector<128x1xf32>
    %add3A_134 = arith.addf %div3A_117, %mul3A_133 : vector<128x1xf32>
    %mul3A_135 = arith.constant 5.000000e-01 : f32
    %mul3A_136 = vector.broadcast %mul3A_135 : f32 to vector<128x1xf32>
    %mul3A_137 = arith.mulf %broadcast_in_dim3A_104, %mul3A_136 : vector<128x1xf32>
    %add3A_138 = arith.addf %div3A_122, %mul3A_137 : vector<128x1xf32>
    %concatenate3A = tpu.concatenate %sub3A_126, %sub3A_130, %add3A_134, %add3A_138 in 1 : vector<128x1xf32>, vector<128x1xf32>, vector<128x1xf32>, vector<128x1xf32> -> vector<128x4xf32>
    %swap3A = arith.constant 0 : index
    %swap3A_139 = arith.constant 0 : index
    %swap3A_140 = vector.load %arg3[%swap3A, %swap3A_139] : memref<128x4xf32, #tpu.memory_space<vmem>>, vector<128x4xf32>
    tpu.vector_store %arg3[%swap3A, %swap3A_139], %concatenate3A {strides = array<i32>} : memref<128x4xf32, #tpu.memory_space<vmem>>, vector<128x4xf32>,
    return
  }
}

module attributes {stable_mosaic.version = 14 : i64} {
  func.func @_nms_kernel(%arg0: i32, %arg1: i32, %arg2: memref<1x80x128x128xf32, #tpu.memory_space<vmem>>, %arg3: memref<1x128x128xi32, #tpu.memory_space<vmem>>, %arg4: memref<128x128xf32, #tpu.memory_space<vmem>>) attributes {dimension_semantics = [#tpu.dimension_semantics<arbitrary>, #tpu.dimension_semantics<arbitrary>], iteration_bounds = array<i64: 8, 1>, scalar_prefetch = 0 : i64, scratch_operands = 1 : i64, tpu.core_type = #tpu.core_type<tc>, window_params = [{transform_indices = @transform_0, window_bounds = array<i64: 1, 80, 128, 128>}, {transform_indices = @transform_1, window_bounds = array<i64: 1, 128, 128>}]} {
    %get3A = arith.constant 0 : index
    %get3A_0 = arith.constant 0 : index
    %get3A_1 = arith.constant 0 : index
    %get3A_2 = arith.constant 0 : index
    %get3A_3 = vector.load %arg2[%get3A, %get3A_0, %get3A_1, %get3A_2] : memref<1x80x128x128xf32, #tpu.memory_space<vmem>>, vector<1x80x128x128xf32>
    %get3A_4 = vector.shape_cast %get3A_3 : vector<1x80x128x128xf32> to vector<80x128x128xf32>
    %iota3A = tpu.iota {dimensions = array<i32: 2>} : vector<80x128x128xi32>
    %iota3A_5 = tpu.iota {dimensions = array<i32: 1>} : vector<80x128x128xi32>
    %eq3A = arith.constant 0 : i32
    %eq3A_6 = vector.broadcast %eq3A : i32 to vector<80x128x128xi32>
    %eq3A_7 = arith.cmpi eq, %iota3A, %eq3A_6 : vector<80x128x128xi32>
    %roll3A = arith.constant 1 : i32
    %roll3A_8 = tpu.dynamic_rotate %get3A_4 by %roll3A dim 2 : vector<80x128x128xf32>, i32 -> vector<80x128x128xf32>
    %jit3A = arith.constant 0xFF800000 : f32
    %broadcast_in_dim3A = vector.broadcast %jit3A : f32 to vector<80x128x128xf32>
    %select_n3A = arith.select %eq3A_7, %broadcast_in_dim3A, %roll3A_8 : vector<80x128x128xi1>, vector<80x128x128xf32>
    %eq3A_9 = arith.constant 127 : i32
    %eq3A_10 = vector.broadcast %eq3A_9 : i32 to vector<80x128x128xi32>
    %eq3A_11 = arith.cmpi eq, %iota3A, %eq3A_10 : vector<80x128x128xi32>
    %roll3A_12 = arith.constant 127 : i32
    %roll3A_13 = tpu.dynamic_rotate %get3A_4 by %roll3A_12 dim 2 : vector<80x128x128xf32>, i32 -> vector<80x128x128xf32>
    %jit3A_14 = arith.constant 0xFF800000 : f32
    %broadcast_in_dim3A_15 = vector.broadcast %jit3A_14 : f32 to vector<80x128x128xf32>
    %select_n3A_16 = arith.select %eq3A_11, %broadcast_in_dim3A_15, %roll3A_13 : vector<80x128x128xi1>, vector<80x128x128xf32>
    %max3A = arith.maximumf %get3A_4, %select_n3A : vector<80x128x128xf32>
    %max3A_17 = arith.maximumf %max3A, %select_n3A_16 : vector<80x128x128xf32>
    %eq3A_18 = arith.constant 0 : i32
    %eq3A_19 = vector.broadcast %eq3A_18 : i32 to vector<80x128x128xi32>
    %eq3A_20 = arith.cmpi eq, %iota3A_5, %eq3A_19 : vector<80x128x128xi32>
    %roll3A_21 = arith.constant 1 : i32
    %roll3A_22 = tpu.dynamic_rotate %max3A_17 by %roll3A_21 dim 1 : vector<80x128x128xf32>, i32 -> vector<80x128x128xf32>
    %jit3A_23 = arith.constant 0xFF800000 : f32
    %broadcast_in_dim3A_24 = vector.broadcast %jit3A_23 : f32 to vector<80x128x128xf32>
    %select_n3A_25 = arith.select %eq3A_20, %broadcast_in_dim3A_24, %roll3A_22 : vector<80x128x128xi1>, vector<80x128x128xf32>
    %eq3A_26 = arith.constant 127 : i32
    %eq3A_27 = vector.broadcast %eq3A_26 : i32 to vector<80x128x128xi32>
    %eq3A_28 = arith.cmpi eq, %iota3A_5, %eq3A_27 : vector<80x128x128xi32>
    %roll3A_29 = arith.constant 127 : i32
    %roll3A_30 = tpu.dynamic_rotate %max3A_17 by %roll3A_29 dim 1 : vector<80x128x128xf32>, i32 -> vector<80x128x128xf32>
    %jit3A_31 = arith.constant 0xFF800000 : f32
    %broadcast_in_dim3A_32 = vector.broadcast %jit3A_31 : f32 to vector<80x128x128xf32>
    %select_n3A_33 = arith.select %eq3A_28, %broadcast_in_dim3A_32, %roll3A_30 : vector<80x128x128xi1>, vector<80x128x128xf32>
    %max3A_34 = arith.maximumf %max3A_17, %select_n3A_25 : vector<80x128x128xf32>
    %max3A_35 = arith.maximumf %max3A_34, %select_n3A_33 : vector<80x128x128xf32>
    %eq3A_36 = arith.cmpf oeq, %max3A_35, %get3A_4 : vector<80x128x128xf32>
    %jit3A_37 = arith.constant 0.000000e+00 : f32
    %broadcast_in_dim3A_38 = vector.broadcast %jit3A_37 : f32 to vector<80x128x128xf32>
    %select_n3A_39 = arith.select %eq3A_36, %get3A_4, %broadcast_in_dim3A_38 : vector<80x128x128xi1>, vector<80x128x128xf32>
    %reduce_max3A = arith.constant dense<0xFF800000> : vector<128x128xf32>
    %reduce_max3A_40 = vector.multi_reduction <maximumf>, %select_n3A_39, %reduce_max3A [0] : vector<80x128x128xf32> to vector<128x128xf32>
    %eq3A_41 = arith.constant 0 : i32
    %eq3A_42 = arith.cmpi eq, %arg1, %eq3A_41 : i32
    %convert_element_type3A = arith.extui %eq3A_42 : i1 to i32
    %cond3A = arith.constant 0 : i32
    %cond3A_43 = arith.cmpi ne, %convert_element_type3A, %cond3A : i32
    scf.if %cond3A_43 {
      %swap3A = arith.constant 0 : index
      %swap3A_54 = arith.constant 0 : index
      %swap3A_55 = vector.load %arg4[%swap3A, %swap3A_54] : memref<128x128xf32, #tpu.memory_space<vmem>>, vector<128x128xf32>
      tpu.vector_store %arg4[%swap3A, %swap3A_54], %reduce_max3A_40 {strides = array<i32>} : memref<128x128xf32, #tpu.memory_space<vmem>>, vector<128x128xf32>,
    } else {
    }
    %gt3A = arith.constant 0 : i32
    %gt3A_44 = arith.cmpi sgt, %arg1, %gt3A : i32
    %convert_element_type3A_45 = arith.extui %gt3A_44 : i1 to i32
    %cond3A_46 = arith.constant 0 : i32
    %cond3A_47 = arith.cmpi ne, %convert_element_type3A_45, %cond3A_46 : i32
    scf.if %cond3A_47 {
      %get3A_54 = arith.constant 0 : index
      %get3A_55 = arith.constant 0 : index
      %get3A_56 = vector.load %arg4[%get3A_54, %get3A_55] : memref<128x128xf32, #tpu.memory_space<vmem>>, vector<128x128xf32>
      %max3A_57 = arith.maximumf %get3A_56, %reduce_max3A_40 : vector<128x128xf32>
      %swap3A = arith.constant 0 : index
      %swap3A_58 = arith.constant 0 : index
      %swap3A_59 = vector.load %arg4[%swap3A, %swap3A_58] : memref<128x128xf32, #tpu.memory_space<vmem>>, vector<128x128xf32>
      tpu.vector_store %arg4[%swap3A, %swap3A_58], %max3A_57 {strides = array<i32>} : memref<128x128xf32, #tpu.memory_space<vmem>>, vector<128x128xf32>,
    } else {
    }
    %eq3A_48 = arith.constant 0 : i32
    %eq3A_49 = arith.cmpi eq, %arg1, %eq3A_48 : i32
    %convert_element_type3A_50 = arith.extui %eq3A_49 : i1 to i32
    %cond3A_51 = arith.constant 0xFF800000 : f32
    %cond3A_52 = arith.constant 0 : i32
    %cond3A_53 = arith.cmpi ne, %convert_element_type3A_50, %cond3A_52 : i32
    scf.if %cond3A_53 {
      %get3A_54 = arith.constant 0 : index
      %get3A_55 = arith.constant 0 : index
      %get3A_56 = vector.load %arg4[%get3A_54, %get3A_55] : memref<128x128xf32, #tpu.memory_space<vmem>>, vector<128x128xf32>
      %max3A_57 = arith.maximumf %get3A_56, %reduce_max3A_40 : vector<128x128xf32>
      %gt3A_58 = arith.constant 1.800000e-01 : f32
      %gt3A_59 = vector.broadcast %gt3A_58 : f32 to vector<128x128xf32>
      %gt3A_60 = arith.cmpf ogt, %max3A_57, %gt3A_59 : vector<128x128xf32>
      %broadcast_in_dim3A_61 = vector.broadcast %cond3A_51 : f32 to vector<128x128xf32>
      %select_n3A_62 = arith.select %gt3A_60, %max3A_57, %broadcast_in_dim3A_61 : vector<128x128xi1>, vector<128x128xf32>
      %bitcast_convert_type3A = tpu.bitcast %select_n3A_62 : vector<128x128xf32> -> vector<128x128xi32>
      %ge3A = arith.constant 0 : i32
      %ge3A_63 = vector.broadcast %ge3A : i32 to vector<128x128xi32>
      %ge3A_64 = arith.cmpi sge, %bitcast_convert_type3A, %ge3A_63 : vector<128x128xi32>
      %xor3A = arith.constant 2147483647 : i32
      %xor3A_65 = vector.broadcast %xor3A : i32 to vector<128x128xi32>
      %xor3A_66 = arith.xori %bitcast_convert_type3A, %xor3A_65 : vector<128x128xi32>
      %select_n3A_67 = arith.select %ge3A_64, %bitcast_convert_type3A, %xor3A_66 : vector<128x128xi1>, vector<128x128xi32>
      %swap3A = arith.constant 0 : index
      %swap3A_68 = arith.constant 0 : index
      %swap3A_69 = arith.constant 0 : index
      %swap3A_70 = vector.load %arg3[%swap3A, %swap3A_68, %swap3A_69] : memref<1x128x128xi32, #tpu.memory_space<vmem>>, vector<1x128x128xi32>
      %swap3A_71 = vector.shape_cast %swap3A_70 : vector<1x128x128xi32> to vector<128x128xi32>
      %swap3A_72 = vector.shape_cast %select_n3A_67 : vector<128x128xi32> to vector<1x128x128xi32>
      tpu.vector_store %arg3[%swap3A, %swap3A_68, %swap3A_69], %swap3A_72 {strides = array<i32>} : memref<1x128x128xi32, #tpu.memory_space<vmem>>, vector<1x128x128xi32>,
    } else {
    }
    return
  }
  func.func @transform_0(%arg0: i32, %arg1: i32) -> (i32, i32, i32, i32) {
    %c0_i32 = arith.constant 0 : i32
    %c0_i32_0 = arith.constant 0 : i32
    %c0_i32_1 = arith.constant 0 : i32
    return %arg0, %arg1, %c0_i32, %c0_i32_0 : i32, i32, i32, i32
  }
  func.func @transform_1(%arg0: i32, %arg1: i32) -> (i32, i32, i32) {
    %c0_i32 = arith.constant 0 : i32
    %c0_i32_0 = arith.constant 0 : i32
    %c0_i32_1 = arith.constant 0 : i32
    return %arg0, %c0_i32, %c0_i32_0 : i32, i32, i32
  }
}

</mosaic_0001>

<sc_bundles>
// kernel: kernel.5.cloned.1.call-start
scs
__scs_entry_jumppad:
0x0: {  	(pc) =	sbr.rel $0x88, $3  }
0x1: {  	(tag) =	ssettag $0x0;
	lr =	simm.s32 $0x1  }
0x2: {  	[smem:$0x3F9E] =	sst lr;
	_ =	strace $0xD0000000  }
0x3: {  	_ = 	snop  }
0x4: {  	_ = 	snop  }
0x5: {  	_ = 	snop  }
0x6: {  	_ = 	snop  }
0x7: {  	_ = 	snop  }
__scs_overlays_trampoline_lowered:
0x8: {  	[smem:$0x3FAD] =	sst s0  }
0x9: {  	[smem:$0x3FAE] =	sst s1  }
0xa: {  	[smem:$0x3FAF] =	sst s2  }
0xb: {  	[smem:$0x3FB0] =	sst s3  }
0xc: {  	[smem:$0x3FB1] =	sst s4  }
0xd: {  	[smem:$0x3FB2] =	sst s5  }
0xe: {  	[smem:$0x3FB3] =	sst s6  }
0xf: {  	[smem:$0x3FB4] =	sst s7  }
0x10: {  	[smem:$0x3FB5] =	sst s8  }
0x11: {  	[smem:$0x3FB6] =	sst s9;
	s0 =	simm.s32 @!p0 $0x0  }
0x12: {  	s1 =	sld [smem:$0x3F9C];
	s0 =	simm.s32 @p0 $0x1  }
0x13: {  	[smem:$0x3FB7] =	sst s0;
	s0 =	simm.s32 @!p1 $0x0  }
0x14: {  	s2 =	sld [smem:$0x3F9B];
	s0 =	simm.s32 @p1 $0x1  }
0x15: {  	[smem:$0x3FB8] =	sst s0;
	s0 =	simm.s32 @!p2 $0x0  }
0x16: {  	s3 =	sld [smem:$0x3FDB];
	s0 =	simm.s32 @p2 $0x1  }
0x17: {  	s4 =	simm.s32 $0x1BF5;
	[smem:$0x3FBA] =	sst s0  }
0x18: {  	s0 =	sld [smem:$0x3F9D];
	_ =	swait.ge [sflag:s4], $0x0  }
0x19: {  	s7 =	sld [smem:$0x3F9E]  }
0x1a: {  	s8 =	sadd.s32 $0xFFFFE003, lr  }
0x1b: {  	s9 =	sadd.s32 $0xFFFFFEF7, lr;
	s5 =	simm.s32 $0xFFFFFFFF;
	p2 =	slt.u32 s8, $0xFFFFF086  }
0x1c: {  	p1 =	slt.u32 s9, $0xF7A;
	s5 =	simm.s32 @!p2 $0x0  }
0x1d: {  	s5 =	simm.s32 @p1 $0x1;
	p0 =	seq.s32 s7, s2  }
0x1e: {  	s7 =	smul.u32 @!p0 $0xF7A, s2;
	p2 =	seq.s32 @!p0 s5, $0x0  }
0x1f: {  	s9 =	smul.u32 $0xF7A, s1;
	s8 =	simm.s32 @!p0 $0x1BF5;
	p2 =	por !p2, p0  }
0x20: {  	[sflag:s8] =	ssyncset.s32 @!p0 $0xFFFFF086;
	s6 =	sadd.s32 @!p0 s3, s7;
	s7 =	simm.s32 @!p0 $0x108  }
0x21: {  	s3 =	sadd.s32 s3, s9;
	s6 =	sadd.s32 @!p0 $0x88, s6;
	s7 =	simm.s32 @p2 $0x1082  }
0x22: {  	[simem:s7], [sflag:s8] =	dma.local @!p0 [hbm:s6], $0xF7A  }
0x23: {  	s9 =	sor.u32 $0xD0000000, s2;
	s6 =	simm.s32 $0x108;
	_ =	swait.ge @!p0 [sflag:s8], $0x0  }
0x24: {  	s3 =	sadd.s32 $0x88, s3;
	s6 =	simm.s32 @!p1 $0x1082;
	[sflag:s4] =	ssyncset.s32 $0xFFFFF086  }
0x25: {  	[simem:s6], [sflag:s4] =	dma.local [hbm:s3], $0xF7A  }
0x26: {  	[smem:$0x3F9E] =	sst s1;
	(tag) =	ssettag s2;
	_ =	strace s9  }
0x27: {  	s1 =	sld [smem:$0x3FAE]  }
0x28: {  	s2 =	sld [smem:$0x3FAF]  }
0x29: {  	s4 =	sld [smem:$0x3FB1]  }
0x2a: {  	p0 =	seq.s32 s5, $0x0;
	s5 =	sld [smem:$0x3FB2]  }
0x2b: {  	s6 =	sld [smem:$0x3FB3]  }
0x2c: {  	s7 =	sld [smem:$0x3FB4]  }
0x2d: {  	s3 =	simm.s32 $0x108;
	s8 =	sld [smem:$0x3FB5]  }
0x2e: {  	s3 =	simm.s32 @!p0 $0x1082;
	s9 =	sld [smem:$0x3FB6]  }
0x2f: {  	lr =	sadd.s32 s0, s3;
	s0 =	sld [smem:$0x3FAD]  }
0x30: {  	s3 =	sld [smem:$0x3FB0]  }
0x31: {  	[smem:$0x3FB9] =	sst s10  }
0x32: {  	s10 =	sld [smem:$0x3FB7];
	_ =	sdelay $0x3  }
0x33: {  	p0 =	seq.s32 s10, $0x1;
	s10 =	sld [smem:$0x3FB9];
	_ =	sdelay $0x3  }
0x34: {  	[smem:$0x3FB9] =	sst s10  }
0x35: {  	s10 =	sld [smem:$0x3FB8];
	_ =	sdelay $0x3  }
0x36: {  	p1 =	seq.s32 s10, $0x1;
	s10 =	sld [smem:$0x3FB9];
	_ =	sdelay $0x3  }
0x37: {  	[smem:$0x3FB9] =	sst s10  }
0x38: {  	s10 =	sld [smem:$0x3FBA]  }
0x39: {  	_ = 	snop;
	(pc) =	sbr.ind lr, $3  }
0x3a: {  	_ = 	snop  }
0x3b: {  	_ = 	snop  }
0x3c: {  	p2 =	seq.s32 s10, $0x1;
	s10 =	sld [smem:$0x3FB9]  }
0x3d: {  	_ =	shalt  }
0x3e: {  	_ =	shalt  }
0x3f: {  	_ =	shalt  }
0x40: {  	_ =	shalt  }
0x41: {  	_ =	shalt  }
0x42: {  	_ =	shalt  }
0x43: {  	_ =	shalt  }
0x44: {  	_ =	shalt  }
0x45: {  	_ =	shalt  }
0x46: {  	_ =	shalt  }
0x47: {  	_ =	shalt  }
0x48: {  	_ =	shalt  }
0x49: {  	_ =	shalt  }
0x4a: {  	_ =	shalt  }
0x4b: {  	_ =	shalt  }
0x4c: {  	_ =	shalt  }
0x4d: {  	_ =	shalt  }
0x4e: {  	_ =	shalt  }
0x4f: {  	_ =	shalt  }
0x50: {  	_ =	shalt  }
0x51: {  	_ =	shalt  }
0x52: {  	_ =	shalt  }
0x53: {  	_ =	shalt  }
0x54: {  	_ =	shalt  }
0x55: {  	_ =	shalt  }
0x56: {  	_ =	shalt  }
0x57: {  	_ =	shalt  }
0x58: {  	_ =	shalt  }
0x59: {  	_ =	shalt  }
0x5a: {  	_ =	shalt  }
0x5b: {  	_ =	shalt  }
0x5c: {  	_ =	shalt  }
0x5d: {  	_ =	shalt  }
0x5e: {  	_ =	shalt  }
0x5f: {  	_ =	shalt  }
0x60: {  	_ =	shalt  }
0x61: {  	_ =	shalt  }
0x62: {  	_ =	shalt  }
0x63: {  	_ =	shalt  }
0x64: {  	_ =	shalt  }
0x65: {  	_ =	shalt  }
0x66: {  	_ =	shalt  }
0x67: {  	_ =	shalt  }
0x68: {  	_ =	shalt  }
0x69: {  	_ =	shalt  }
0x6a: {  	_ =	shalt  }
0x6b: {  	_ =	shalt  }
0x6c: {  	_ =	shalt  }
0x6d: {  	_ =	shalt  }
0x6e: {  	_ =	shalt  }
0x6f: {  	_ =	shalt  }
0x70: {  	_ =	shalt  }
0x71: {  	_ =	shalt  }
0x72: {  	_ =	shalt  }
0x73: {  	_ =	shalt  }
0x74: {  	_ =	shalt  }
0x75: {  	_ =	shalt  }
0x76: {  	_ =	shalt  }
0x77: {  	_ =	shalt  }
0x78: {  	_ =	shalt  }
0x79: {  	_ =	shalt  }
0x7a: {  	_ =	shalt  }
0x7b: {  	_ =	shalt  }
0x7c: {  	_ =	shalt  }
0x7d: {  	_ =	shalt  }
0x7e: {  	_ =	shalt  }
0x7f: {  	_ =	shalt  }
0x80: {  	_ =	shalt  }
0x81: {  	_ =	shalt  }
0x82: {  	_ =	shalt  }
0x83: {  	_ =	shalt  }
0x84: {  	_ =	shalt  }
0x85: {  	_ =	shalt  }
0x86: {  	_ =	shalt  }
0x87: {  	_ =	shalt  }
.Lfunc_end0:
.L_simem_size_0:
called_computation_lowered:
.L_overlay_start_0:
0x88: {  	s2 =	sld [smem:$0x3FD9]  }
0x89: {  	s3 =	sld [smem:$0x3FFE];
	_ =	sdelay $0x1  }
0x8a: {  	s1 =	srdreg.scid  }
0x8b: {  	s0 =	sand.u32 $0x1, s1  }
0x8c: {  	s14 =	sshll.u32 s0, $0xA;
	s2 =	sadd.s32 s3, s2  }
0x8d: {  	s2 =	sadd.s32 s2, s14  }
0x8e: {  	[smem:$0x3FC5] =	sst s2  }
0x8f: {  	_ = 	snop  }
0x90: {  	s2 =	sld [smem:$0x3FD0];
	_ =	sdelay $0x2  }
0x91: {  	s15 =	simm.s32 $0xA;
	s4 =	simm.s32 $0x10  }
0x92: {  	[smem:s4], [sflag:s15] =	dma.local [hbm:s2], $0x1  }
0x93: {  	_ =	swait.eq [sflag:s15], $0x1  }
0x94: {  	s16 =	sld [smem:$0x10];
	[sflag:s15] =	ssyncset.done $0x0  }
0x95: {  	s17 =	sld [smem:$0x12];
	[sflag:s15] =	ssyncadd.s32 $0xFFFFFFFF  }
0x96: {  	s18 =	sld [smem:$0x13];
	(tm) =	ssettm $0x1  }
0x97: {  	s5 =	sld [smem:$0x3FFB];
	_ =	sdelay $0x3  }
0x98: {  	_ =	strace s5  }
0x99: {  	s5 =	sld [smem:$0x3FFC];
	_ =	sdelay $0x3  }
0x9a: {  	_ =	strace s5  }
0x9b: {  	s5 =	sld [smem:$0x3FFD];
	_ =	sdelay $0x3  }
0x9c: {  	_ =	strace s5  }
0x9d: {  	_ =	strace $0x8FFFFFFF  }
0x9e: {  	s19 =	sld [smem:$0x3FDB];
	_ =	sdelay $0x1  }
0x9f: {  	s6 =	simm.s32 $_scs_section_size  }
0xa0: {  	s7 =	simm.s32 $_size__tile_overlayer_lowered;
	s8 =	simm.s32 $_tile_overlayer_lowered  }
0xa1: {  	s22 =	simm.s32 $0x1BFF;
	s21 =	sshll.u32 s8, $0x1;
	s5 =	sadd.s32 s6, s19  }
0xa2: {  	s9 =	simm.s32 $0x0;
	s20 =	sshll.u32 s7, $0x1;
	s7 =	sadd.s32 s21, s5  }
0xa3: {  	[timem:s9], [sflag:s22] =	dma.local [hbm:s7], s20  }
0xa4: {  	_ =	swait.ge [sflag:s22], s20  }
0xa5: {  	s6 =	ssub.s32 $0x0, s20;
	[sflag:s22] =	ssyncset.done $0x0  }
0xa6: {  	[sflag:s22] =	ssyncadd.s32 s6;
	_ =	sdelay $0x1  }
0xa7: {  	s23 =	simm.s32 $0x1B8B  }
0xa8: {  	_ =	swait.ge [sflag:s23], $0x1  }
0xa9: {  	[sflag:s23] =	ssyncset.done $0x0  }
0xaa: {  	s25 =	simm.s32 $0x1B8E;
	s24 =	sld [smem:$0x3FFE];
	[sflag:s23] =	ssyncadd.s32 $0xFFFFFFFF  }
0xab: {  	s26 =	simm.s32 $execute0_lowered;
	[smem:$0x3FD2] =	sst s25  }
0xac: {  	s7 =	sshll.u32 s26, $0x1;
	_ =	strace $0x80000046;
	[dreg:$0x1] =	wrdreg $0xFFFFFFFF  }
0xad: {  	s28 =	simm.s32 $_size_execute0_lowered;
	s5 =	sadd.s32 s5, s7;
	[dreg:$0x0] =	wrdreg $0x0  }
0xae: {  	s7 =	sshll.u32 s28, $0x1;
	[dreg:$0x2] =	wrdreg s5  }
0xaf: {  	[dreg:$0x3] =	wrdreg s7  }
0xb0: {  	[dreg:$0x4] =	wrdreg $0xC0  }
0xb1: {  	_ =	task [dreg:s9], $0x5FFFF  }
0xb2: {  	[dreg:$0x1] =	wrdreg $0xFFFFFFFF  }
0xb3: {  	[dreg:$0x0] =	wrdreg $0x60  }
0xb4: {  	[dreg:$0x2] =	wrdreg s24  }
0xb5: {  	[dreg:$0x3] =	wrdreg s16  }
0xb6: {  	[dreg:$0x4] =	wrdreg s18  }
0xb7: {  	[dreg:$0x5] =	wrdreg s17  }
0xb8: {  	[dreg:$0x6] =	wrdreg $0x43800  }
0xb9: {  	[dreg:$0x7] =	wrdreg $0x44000  }
0xba: {  	[dreg:$0x8] =	wrdreg $0x9  }
0xbb: {  	_ =	task.clear_ibuf [dreg:s9], $0x9FFFF;
	_ =	strace $0x90000046  }
0xbc: {  	s29 =	simm.s32 $0x9;
	_ =	strace $0x80000048  }
0xbd: {  	_ =	swait.ge [sflag:s29], $0x1  }
0xbe: {  	[sflag:s29] =	ssyncadd.s32 $0xFFFFFFFF  }
0xbf: {  	_ =	strace $0x90000048  }
0xc0: {  	_ =	sfence  }
0xc1: {  	s30 =	sld [smem:$0x0];
	_ =	sdelay $0x2  }
0xc2: {  	s31 =	sshll.u32 s1, $0xD;
	s1 =	sshrl.u32 s1, $0x2  }
0xc3: {  	s3 =	sand.u32 $0x4000, s31;
	s1 =	sadd.s32 s1, s30  }
0xc4: {  	s0 =	sor.u32 s3, s0;
	s1 =	sshll.u32 s1, $0x11  }
0xc5: {  	s0 =	sor.u32 s1, s0  }
0xc6: {  	s0 =	sadd.s32 $0x8F2B, s0  }
0xc7: {  	[sflag:s0] =	ssyncadd.remote.s32 $0x1  }
0xc8: {  	_ =	sfence.sel $0xFFFF  }
0xc9: {  	[dreg:$0x0] =	wrdreg $0xFFFFFFFF;
	(pc) =	sbr.abs _section_cstart, $3  }
0xca: {  	[dreg:$0x1] =	wrdreg $0xFFFFFFFF  }
0xcb: {  	_ =	task.clear_ibuf [dreg:s9], $0x2FFFF;
	_ =	strace $0x9FFFFFFF  }
0xcc: {  	(tm) =	ssettm $0x7FFFFFFF  }
0xcd: {  	_ =	shalt  }
tec
execute0_lowered:
.L_overlay_start_1:
0x0: {  	(tag) =	ssettag $0x1  }
0x1: {  	s8 =	rddreg [dreg:$0x0]  }
0x2: {  	s1 =	rddreg [dreg:$0x1]  }
0x3: {  	s2 =	rddreg [dreg:$0x2]  }
0x4: {  	s3 =	rddreg [dreg:$0x3]  }
0x5: {  	s4 =	rddreg [dreg:$0x4]  }
0x6: {  	s5 =	rddreg [dreg:$0x5];
	s6 =	srdreg.scid  }
0x7: {  	s7 =	simm.s32 $0x0;
	s14 =	simm.s32 $0x2000;
	s15 =	simm.s32 $0x4280  }
0x8: {  	s16 =	simm.s32 $0x4300;
	s18 =	simm.s32 $0x4C80;
	s19 =	simm.s32 $0x5580  }
0x9: {  	s20 =	simm.s32 $0x5500;
	s21 =	simm.s32 $0x5600;
	s22 =	simm.s32 $0x0  }
0xa: {  	s13 =	sand.u32 $0x1, s6;
	[smem:$0x7FF] =	sst s7;
	s6 =	stileid.u32  }
0xb: {  	s9 =	ssub.s32 $0x2, s13;
	_ =	strace $0x80000047;
	s10 =	sshll.u32 s6, $0xA  }
.Ltmp0:
0xc: {  	s17 =	sor.u32 s6, s13;
	s31 =	sshll.u32 s6, $0x7;
	(pc) =	sbr.rel .LBB2_1-.Ltmp0, $4  }
0xd: {  	v0 =	vlaneseq.u32;
	p0 =	sne.s32 s13, $0x0;
	s13 =	simm.s32 $0x1;
	s11 =	sshrl.u32 s9, $0x1  }
0xe: {  	vm0 =	vmmov $0xf;
	v5 =	vimm.s32 $0x80000000;
	v2 =	vmul.u32 $0x10, v0;
	s10 =	sadd.s32 s10, s8;
	s8 =	sshll.u32 s6, $0xD;
	p1 =	sne.s32 s17, $0x0  }
0xf: {  	v6 =	vimm.s32 $0x0;
	v3 =	vor.u32 $0x80000000, v0;
	v4 =	vor.u32 $0x80000010, v0;
	s17 =	simm.s32 $0x4480;
	s12 =	ssub.s32 s9, s11;
	s9 =	sadd.s32 $0x1000, s10  }
0x10: {  	v7 =	vmul.u32 $0x80, v0;
	v1 =	vor.u32 $0xF, v2;
	v2 =	vor.u32 $0x10F, v2;
	s10 =	sadd.s32 s31, s4;
	s11 =	sadd.s32 s31, s5;
	s12 =	smax.u32 s12, $0x1  }
.LBB2_22:
0x11: {  	v8 =	vsel vm1, s23, v8;
	[tilespmem:s26+$0x4300] =	vst v9  }
0x12: {  	[tilespmem:s26+$0x4280] =	vst v8  }
0x13: {  	v8 =	vld [tilespmem:$0x42E0]  }
0x14: {  	v9 =	vld [tilespmem:$0x4360];
	_ =	sdelay $0x2  }
0x15: {  	[tilespmem:$0x42F0] =	vst v5  }
0x16: {  	[tilespmem:$0x4370] =	vst v6;
	v8 =	vnsel vm0, $0x80000000, v8  }
0x17: {  	[tilespmem:$0x42E0] =	vst v8;
	v8 =	vnsel vm0, $0x0, v9  }
0x18: {  	[tilespmem:$0x4360] =	vst v8  }
0x19: {  	[spmem:s10] =	stream.linear.scatter [tilespmem:s15], [sflag:$0x1], $0x80, $0x38;
	[tilespmem:$0x5680] =	vst v63  }
0x1a: {  	_ =	swait.ge [sflag:s13], $0x80  }
0x1b: {  	[sflag:s13] =	ssyncset.done $0x0  }
0x1c: {  	[sflag:s13] =	ssyncadd.s32 $0xFFFFFF80  }
0x1d: {  	[spmem:s11] =	stream.linear.scatter [tilespmem:s16], [sflag:$0x1], $0x80, $0x38;
	[tilespmem:$0x5680] =	vst v63  }
0x1e: {  	_ =	swait.ge [sflag:s13], $0x80  }
0x1f: {  	[sflag:s13] =	ssyncset.done $0x0  }
0x20: {  	[sflag:s13] =	ssyncadd.s32 $0xFFFFFF80  }
.LBB2_23:
.Ltmp1:
0x21: {  	(pc) =	sbr.rel @!p1 .LBB2_24-.Ltmp1, $2  }
0x22: {  	_ =	sdelay $0x1  }
0x23: {  	[bflag:$0x0] =	sbarrier.arrive $0xFFFF;
	_ =	sdelay $0x1  }
.LBB2_27:
0x24: {  	s22 =	sadd.s32 $0x1, s22  }
0x25: {  	p2 =	sne.s32 s22, s12  }
.Ltmp2:
0x26: {  	_ = 	snop;
	(pc) =	sbr.rel @!p2 .LBB2_28-.Ltmp2, $1  }
0x27: {  	_ =	sdelay $0x3  }
.LBB2_1:
.Ltmp3:
0x28: {  	(pc) =	sbr.rel @p0 .LBB2_23-.Ltmp3, $1  }
0x29: {  	_ =	sdelay $0x3  }
0x2a: {  	[tilespmem:s7], [sflag:$0x1] =	stream.linear.gather [hbm4b:s9+s7], $0x2000, $0x38;
	[tilespmem:$0x5680] =	vst v63  }
0x2b: {  	_ =	swait.ge [sflag:s13], $0x2000  }
0x2c: {  	[sflag:s13] =	ssyncset.done $0x0  }
0x2d: {  	s23 =	simm.s32 $0x40;
	[sflag:s13] =	ssyncadd.s32 $0xFFFFE000  }
0x2e: {  	v8 =	vld [tilespmem:s23+$0x30]  }
0x2f: {  	v9 =	vld [tilespmem:s23+$0xFFFFFFD0]  }
0x30: {  	v10 =	vld [tilespmem:s23+$0xFFFFFFE0]  }
0x31: {  	v11 =	vld [tilespmem:s23+$0xFFFFFFF0]  }
0x32: {  	v12 =	vld [tilespmem:s23+$0x0]  }
0x33: {  	v13 =	vld [tilespmem:s23+$0x10]  }
0x34: {  	v14 =	vld [tilespmem:s23+$0x20]  }
0x35: {  	v15 =	vld [tilespmem:s23+$0xFFFFFFC0];
	v8 =	vxor.u32 $0x80000000, v8  }
0x36: {  	s25 =	simm.s32 $0xC0;
	v9 =	vxor.u32 $0x80000000, v9;
	(xrf0) =	vmax.scan.msk.u32 $0xffff, v8  }
0x37: {  	v8 =	vxor.u32 $0x80000000, v10;
	(xrf0) =	vmax.scan.msk.u32 $0xffff, v9;
	v9 =	vxor.u32 $0x80000000, v11;
	v11 =	vld [tilespmem:s25+$0xFFFFFFD0]  }
0x38: {  	v16 =	vld [tilespmem:s25+$0x30];
	(xrf0) =	vmax.scan.msk.u32 $0xffff, v8  }
0x39: {  	v8 =	vxor.u32 $0x80000000, v12;
	v12 =	vxor.u32 $0x80000000, v14;
	(xrf0) =	vmax.scan.msk.u32 $0xffff, v9  }
0x3a: {  	v17 =	vld [tilespmem:s25+$0xFFFFFFE0];
	v9 =	vxor.u32 $0x80000000, v13;
	v13 =	vxor.u32 $0x80000000, v15;
	(xrf0) =	vmax.scan.msk.u32 $0xffff, v8  }
0x3b: {  	v10 =	vld [tilespmem:s25+$0xFFFFFFF0];
	(xrf0) =	vmax.scan.msk.u32 $0xffff, v9  }
0x3c: {  	v8 =	vld [tilespmem:s25+$0x0];
	(xrf0) =	vmax.scan.msk.u32 $0xffff, v12;
	v12, _, _ =	vpop (xrf0);
	v15 =	vxor.u32 $0x80000000, v11  }
0x3d: {  	s23 =	simm.s32 $0x2040;
	v14 =	vxor.u32 $0x80000000, v16;
	v9 =	vld [tilespmem:s25+$0x10];
	v12 =	vxor.u32 $0x80000000, v12;
	(xrf0) =	vmax.scan.msk.u32 $0xffff, v13;
	v13, _, _ =	vpop (xrf0)  }
0x3e: {  	v11 =	vld [tilespmem:s25+$0x20];
	(xrf0) =	vmax.scan.msk.u32 $0xffff, v14;
	v14 =	vxor.u32 $0x80000000, v13;
	[tilespmem:s23+$0x30] =	vst v12;
	v16, _, _ =	vpop (xrf0)  }
0x3f: {  	s24 =	simm.s32 $0x8;
	v12 =	vld [tilespmem:s25+$0xFFFFFFC0];
	v13 =	vxor.u32 $0x80000000, v17;
	s25 =	simm.s32 $0x140;
	(xrf0) =	vmax.scan.msk.u32 $0xffff, v15;
	[tilespmem:s23+$0xFFFFFFD0] =	vst v14;
	v14 =	vxor.u32 $0x80000000, v16;
	v15, _, _ =	vpop (xrf0)  }
.LBB2_3:
0x40: {  	v16 =	vld [tilespmem:s25+$0x30];
	s24 =	sadd.s32 $0x8, s24;
	v10 =	vxor.u32 $0x80000000, v10;
	(xrf0) =	vmax.scan.msk.u32 $0xffff, v13;
	[tilespmem:s23+$0xFFFFFFE0] =	vst v14;
	v17 =	vxor.u32 $0x80000000, v15;
	v14, _, _ =	vpop (xrf0)  }
0x41: {  	v15 =	vld [tilespmem:s25+$0xFFFFFFD0];
	p2 =	slt.u32 s24, $0x1F8;
	v8 =	vxor.u32 $0x80000000, v8;
	(xrf0) =	vmax.scan.msk.u32 $0xffff, v10;
	[tilespmem:s23+$0xFFFFFFF0] =	vst v17;
	v10 =	vxor.u32 $0x80000000, v14;
	v13, _, _ =	vpop (xrf0)  }
0x42: {  	v14 =	vld [tilespmem:s25+$0xFFFFFFE0];
	v9 =	vxor.u32 $0x80000000, v9;
	(xrf0) =	vmax.scan.msk.u32 $0xffff, v8;
	[tilespmem:s23+$0x0] =	vst v10;
	v8 =	vxor.u32 $0x80000000, v13;
	v13, _, _ =	vpop (xrf0)  }
.Ltmp4:
0x43: {  	v10 =	vld [tilespmem:s25+$0xFFFFFFF0];
	v17 =	vxor.u32 $0x80000000, v11;
	(xrf0) =	vmax.scan.msk.u32 $0xffff, v9;
	[tilespmem:s23+$0x10] =	vst v8;
	v9 =	vxor.u32 $0x80000000, v13;
	v13, _, _ =	vpop (xrf0);
	(pc) =	sbr.rel @p2 .LBB2_3-.Ltmp4, $4  }
0x44: {  	v8 =	vld [tilespmem:s25+$0x0];
	v18 =	vxor.u32 $0x80000000, v12;
	(xrf0) =	vmax.scan.msk.u32 $0xffff, v17;
	v11, _, _ =	vpop (xrf0);
	v13 =	vxor.u32 $0x80000000, v13;
	[tilespmem:s23+$0x20] =	vst v9  }
0x45: {  	v9 =	vld [tilespmem:s25+$0x10];
	v16 =	vxor.u32 $0x80000000, v16;
	v19 =	vxor.u32 $0x80000000, v11;
	(xrf0) =	vmax.scan.msk.u32 $0xffff, v18;
	v12, _, _ =	vpop (xrf0);
	[tilespmem:s23+$0xFFFFFFC0] =	vst v13;
	s23 =	sadd.s32 $0x80, s23  }
0x46: {  	v18 =	vxor.u32 $0x80000000, v15;
	v11 =	vld [tilespmem:s25+$0x20];
	(xrf0) =	vmax.scan.msk.u32 $0xffff, v16;
	v16 =	vxor.u32 $0x80000000, v12;
	[tilespmem:s23+$0x30] =	vst v19;
	v17, _, _ =	vpop (xrf0)  }
0x47: {  	v12 =	vld [tilespmem:s25+$0xFFFFFFC0];
	v13 =	vxor.u32 $0x80000000, v14;
	s25 =	sadd.s32 $0x80, s25;
	(xrf0) =	vmax.scan.msk.u32 $0xffff, v18;
	[tilespmem:s23+$0xFFFFFFD0] =	vst v16;
	v14 =	vxor.u32 $0x80000000, v17;
	v15, _, _ =	vpop (xrf0)  }
0x48: {  	v50, _, _ =	vpop (xrf0)  }
0x49: {  	v10 =	vxor.u32 $0x80000000, v10;
	(xrf0) =	vmax.scan.msk.u32 $0xffff, v13;
	v52, _, _ =	vpop (xrf0)  }
0x4a: {  	[tilespmem:s23+$0xFFFFFFE0] =	vst v14;
	v49 =	vxor.u32 $0x80000000, v15;
	v8 =	vxor.u32 $0x80000000, v8;
	(xrf0) =	vmax.scan.msk.u32 $0xffff, v10;
	v53, _, _ =	vpop (xrf0)  }
0x4b: {  	[tilespmem:s23+$0xFFFFFFF0] =	vst v49;
	(xrf0) =	vmax.scan.msk.u32 $0xffff, v8;
	v8 =	vxor.u32 $0x80000000, v52;
	v54, _, _ =	vpop (xrf0)  }
0x4c: {  	v51 =	vxor.u32 $0x80000000, v50;
	v9 =	vxor.u32 $0x80000000, v9;
	[tilespmem:s23+$0x10] =	vst v8;
	v8 =	vxor.u32 $0x80000000, v53;
	v56, _, _ =	vpop (xrf0)  }
0x4d: {  	v11 =	vxor.u32 $0x80000000, v11;
	(xrf0) =	vmax.scan.msk.u32 $0xffff, v9;
	[tilespmem:s23+$0x20] =	vst v8;
	v8 =	vxor.u32 $0x80000000, v56  }
0x4e: {  	[tilespmem:s23+$0x0] =	vst v51;
	v55 =	vxor.u32 $0x80000000, v12;
	(xrf0) =	vmax.scan.msk.u32 $0xffff, v11;
	v9 =	vxor.u32 $0x80000000, v54  }
0x4f: {  	s25 =	sadd.s32 $0x80, s23;
	(xrf0) =	vmax.scan.msk.u32 $0xffff, v55;
	v57, _, _ =	vpop (xrf0);
	[tilespmem:s23+$0xFFFFFFC0] =	vst v9  }
0x50: {  	v58 =	vxor.u32 $0x80000000, v57;
	[tilespmem:s25+$0x30] =	vst v8;
	v8, _, _ =	vpop (xrf0)  }
0x51: {  	[tilespmem:s25+$0xFFFFFFD0] =	vst v58;
	v8 =	vxor.u32 $0x80000000, v8;
	v59, _, _ =	vpop (xrf0)  }
0x52: {  	p3 =	por $0x1, $0x1;
	[tilespmem:s25+$0xFFFFFFE0] =	vst v8;
	v8 =	vxor.u32 $0x80000000, v59;
	v60, _, _ =	vpop (xrf0)  }
.Ltmp5:
0x53: {  	[tilespmem:s25+$0xFFFFFFF0] =	vst v8;
	v8 =	vxor.u32 $0x80000000, v60;
	v61, _, _ =	vpop (xrf0);
	(pc) =	sbr.rel @!p3 .LBB2_5-.Ltmp5, $4  }
0x54: {  	[tilespmem:s25+$0x0] =	vst v8;
	v8 =	vxor.u32 $0x80000000, v61;
	v62, _, _ =	vpop (xrf0)  }
0x55: {  	[tilespmem:s25+$0x10] =	vst v8;
	v8 =	vxor.u32 $0x80000000, v62;
	v63, _, _ =	vpop (xrf0)  }
0x56: {  	s24 =	simm.s32 $0x4020;
	v9 =	vxor.u32 $0x80000000, v63;
	[tilespmem:s25+$0x20] =	vst v8  }
0x57: {  	p4 =	por $0x0, $0x0;
	p2 =	por $0x0, $0x0;
	s23 =	simm.s32 $0x0;
	[tilespmem:s25+$0xFFFFFFC0] =	vst v9  }
0x58: {  	v8 =	vor.u32 s23, v1;
	p5 =	por $0x1, $0x1  }
.Ltmp6:
0x59: {  	_ = 	snop;
	(pc) =	sbr.rel @!p5 .LBB2_7-.Ltmp6, $3  }
0x5a: {  	_ =	sdelay $0x1  }
0x5b: {  	s31 =	simm.s32 $0x100;
	s25 =	simm.s32 $0x200;
	s26 =	simm.s32 $0x300  }
0x5c: {  	s23 =	simm.s32 $0x400;
	p4 =	por $0x1, $0x1;
	v13 =	vor.u32 s31, v1;
	v15 =	vor.u32 s25, v1;
	v10 =	vor.u32 s26, v1;
	v12 =	vld.idx.msk [tilespmem:v8+s14+$0x0], $0xffff  }
0x5d: {  	_ =	sdelay $0x1  }
0x5e: {  	v16 =	vor.u32 s23, v1;
	p6 =	por $0x1, $0x1  }
.Ltmp7:
0x5f: {  	s26 =	simm.s32 $0x700;
	(pc) =	sbr.rel @!p6 .LBB2_9-.Ltmp7, $4  }
0x60: {  	v8 =	vld.idx.msk [tilespmem:v10+s14+$0x0], $0xffff;
	v10 =	vor.u32 s26, v1  }
0x61: {  	s25 =	simm.s32 $0x600;
	v9 =	vld.idx.msk [tilespmem:v15+s14+$0x0], $0xffff  }
0x62: {  	s31 =	simm.s32 $0x500;
	s28 =	simm.s32 $0x8;
	v11 =	vld.idx.msk [tilespmem:v13+s14+$0x0], $0xffff;
	s23 =	simm.s32 $0x800;
	v15 =	vor.u32 s25, v1  }
0x63: {  	p5 =	por $0x1, $0x1;
	v14 =	vor.u32 s31, v1;
	s25 =	simm.s32 $0x4060;
	s26 =	simm.s32 $0x4020;
	[tilespmem:s24+$0xFFFFFFE0] =	vst v12;
	v16 =	vld.idx.msk [tilespmem:v16+s14+$0x0], $0xffff  }
.LBB2_10:
0x64: {  	s29 =	sadd.s32 $0x100, s23;
	s28 =	sadd.s32 $0x4, s28  }
0x65: {  	v12 =	vor.u32 s23, v1;
	s30 =	sadd.s32 $0x200, s23;
	s31 =	sadd.s32 $0x300, s23;
	[tilespmem:s26+$0x10] =	vst v8;
	v8 =	vld.idx.msk [tilespmem:v10+s14+$0x0], $0xffff;
	p6 =	slt.u32 s28, $0x1C  }
.Ltmp8:
0x66: {  	v13 =	vor.u32 s29, v1;
	v17 =	vor.u32 s30, v1;
	v10 =	vor.u32 s31, v1;
	(pc) =	sbr.rel @p6 .LBB2_10-.Ltmp8, $3  }
0x67: {  	[tilespmem:s26+$0x0] =	vst v9;
	v9 =	vld.idx.msk [tilespmem:v15+s14+$0x0], $0xffff;
	v15 =	vmov v17  }
0x68: {  	[tilespmem:s26+$0xFFFFFFF0] =	vst v11;
	v11 =	vld.idx.msk [tilespmem:v14+s14+$0x0], $0xffff;
	v14 =	vmov v13;
	s26 =	smov.u32 s25;
	_ =	sdelay $0x1  }
0x69: {  	s23 =	sadd.s32 $0x400, s23;
	s25 =	sadd.s32 $0x40, s25;
	[tilespmem:s26+$0xFFFFFFE0] =	vst v16;
	v16 =	vld.idx.msk [tilespmem:v12+s14+$0x0], $0xffff  }
0x6a: {  	_ =	sdelay $0x3  }
0x6b: {  	v13 =	vmov v14;
	v12 =	vmov v16  }
.LBB2_12:
0x6c: {  	_ =	sdelay $0x2  }
0x6d: {  	v14 =	vor.u32 s23, v1;
	s28 =	sadd.s32 $0x300, s23  }
0x6e: {  	s29 =	sadd.s32 $0x200, s23;
	v10 =	vld.idx.msk @p4 [tilespmem:v10+s14+$0x0], $0xffff;
	v16 =	vor.u32 s28, v1  }
0x6f: {  	s31 =	sadd.s32 $0x100, s23;
	v15 =	vld.idx.msk @p4 [tilespmem:v15+s14+$0x0], $0xffff;
	v17 =	vor.u32 s29, v1  }
0x70: {  	[tilespmem:s26+$0x10] =	vst @p5 v8;
	v13 =	vld.idx.msk @p4 [tilespmem:v13+s14+$0x0], $0xffff;
	v8 =	vor.u32 s31, v1  }
0x71: {  	[tilespmem:s26+$0x0] =	vst @p5 v9  }
0x72: {  	[tilespmem:s26+$0xFFFFFFF0] =	vst @p5 v11;
	s23 =	smov.u32 @p4 s25;
	v9 =	vld.idx.msk [tilespmem:v14+s14+$0x0], $0xffff  }
0x73: {  	[tilespmem:s23+$0xFFFFFFE0] =	vst @p4 v12;
	s23 =	smov.u32 @p4 s23;
	v10 =	vpsel p4, v10, v0;
	v11 =	vld.idx.msk [tilespmem:v16+s14+$0x0], $0xffff  }
0x74: {  	v12 =	vpsel p4, v15, v0;
	[tilespmem:s23+$0x10] =	vst @p4 v10;
	v10 =	vld.idx.msk [tilespmem:v17+s14+$0x0], $0xffff  }
0x75: {  	s25 =	sadd.s32 @p4 $0x40, s25;
	s26 =	simm.s32 $0x4020;
	v13 =	vpsel p4, v13, v0;
	[tilespmem:s23+$0x0] =	vst @p4 v12;
	v8 =	vld.idx.msk [tilespmem:v8+s14+$0x0], $0xffff  }
0x76: {  	s26 =	smov.u32 @p4 s25;
	[tilespmem:s23+$0xFFFFFFF0] =	vst @p4 v13  }
0x77: {  	[tilespmem:s26+$0xFFFFFFE0] =	vst v9  }
0x78: {  	[tilespmem:s26+$0x10] =	vst v11  }
0x79: {  	[tilespmem:s26+$0x0] =	vst v10  }
.Ltmp9:
0x7a: {  	[tilespmem:s26+$0xFFFFFFF0] =	vst v8;
	(pc) =	sbr.rel @!p3 .LBB2_13-.Ltmp9, $4  }
0x7b: {  	v10 =	vld [tilespmem:s24+$0xFFFFFFE0]  }
0x7c: {  	v9 =	vld [tilespmem:s24+$0x10]  }
0x7d: {  	v11 =	vld [tilespmem:s24+$0x0]  }
0x7e: {  	s23 =	simm.s32 $0x2020;
	v8 =	vld [tilespmem:s24+$0xFFFFFFF0]  }
0x7f: {  	_ = 	snop  }
0x80: {  	p4 =	por $0x1, $0x1  }
.Ltmp10:
0x81: {  	s24 =	simm.s32 $0x4060;
	v9 =	vxor.u32 $0x80000000, v9;
	(pc) =	sbr.rel @!p4 .LBB2_15-.Ltmp10, $4  }
0x82: {  	v14 =	vld [tilespmem:s24+$0xFFFFFFE0];
	v11 =	vxor.u32 $0x80000000, v11;
	(xrf0) =	vmax.scan.msk.u32 $0xffff, v9  }
0x83: {  	v10 =	vxor.u32 $0x80000000, v10;
	v9 =	vld [tilespmem:s24+$0x10];
	(xrf0) =	vmax.scan.msk.u32 $0xffff, v11  }
0x84: {  	v11 =	vld [tilespmem:s24+$0x0];
	v12 =	vxor.u32 $0x80000000, v8;
	(xrf0) =	vmax.scan.msk.u32 $0xffff, v10  }
0x85: {  	p3 =	por $0x1, $0x1;
	v8 =	vld [tilespmem:s24+$0xFFFFFFF0];
	(xrf0) =	vmax.scan.msk.u32 $0xffff, v12  }
0x86: {  	_ =	sdelay $0x1  }
0x87: {  	v9 =	vxor.u32 $0x80000000, v9  }
0x88: {  	p4 =	por $0x1, $0x1;
	v12, _, _ =	vpop (xrf0);
	v11 =	vxor.u32 $0x80000000, v11;
	(xrf0) =	vmax.scan.msk.u32 $0xffff, v9  }
.Ltmp11:
0x89: {  	s26 =	simm.s32 $0x40A0;
	v13 =	vxor.u32 $0x80000000, v14;
	v12 =	vxor.u32 $0x80000000, v12;
	v14, _, _ =	vpop (xrf0);
	(xrf0) =	vmax.scan.msk.u32 $0xffff, v11;
	(pc) =	sbr.rel @!p4 .LBB2_17-.Ltmp11, $4  }
0x8a: {  	v10 =	vld [tilespmem:s26+$0xFFFFFFE0];
	(xrf0) =	vmax.scan.msk.u32 $0xffff, v13;
	v13 =	vxor.u32 $0x80000000, v14  }
0x8b: {  	v9 =	vld [tilespmem:s26+$0x10]  }
0x8c: {  	s28 =	simm.s32 $0x8;
	v11 =	vld [tilespmem:s26+$0x0];
	v15 =	vxor.u32 $0x80000000, v8;
	[tilespmem:s23+$0x10] =	vst v12;
	v12, _, _ =	vpop (xrf0)  }
0x8d: {  	p2 =	por $0x1, $0x1;
	s24 =	simm.s32 $0x2020;
	s25 =	simm.s32 $0x2020;
	v8 =	vld [tilespmem:s26+$0xFFFFFFF0];
	(xrf0) =	vmax.scan.msk.u32 $0xffff, v15;
	[tilespmem:s23+$0x0] =	vst v13;
	v12 =	vxor.u32 $0x80000000, v12;
	v13, _, _ =	vpop (xrf0)  }
.LBB2_18:
0x8e: {  	s28 =	sadd.s32 $0x4, s28  }
0x8f: {  	s26 =	sadd.s32 $0x40, s26;
	[tilespmem:s24+$0xFFFFFFE0] =	vst v12;
	v12 =	vxor.u32 $0x80000000, v13;
	s25 =	sadd.s32 $0x40, s25;
	v13 =	vmov v10;
	p4 =	slt.u32 s28, $0x1C  }
.Ltmp12:
0x90: {  	v10 =	vld [tilespmem:s26+$0xFFFFFFE0];
	v15 =	vxor.u32 $0x80000000, v9;
	[tilespmem:s24+$0xFFFFFFF0] =	vst v12;
	s24 =	smov.u32 s25;
	(pc) =	sbr.rel @p4 .LBB2_18-.Ltmp12, $4  }
0x91: {  	v9 =	vld [tilespmem:s26+$0x10];
	v17 =	vxor.u32 $0x80000000, v11;
	(xrf0) =	vmax.scan.msk.u32 $0xffff, v15;
	v14, _, _ =	vpop (xrf0)  }
0x92: {  	v18 =	vxor.u32 $0x80000000, v13;
	v11 =	vld [tilespmem:s26+$0x0];
	v15 =	vxor.u32 $0x80000000, v8;
	(xrf0) =	vmax.scan.msk.u32 $0xffff, v17;
	v16 =	vxor.u32 $0x80000000, v14;
	v14, _, _ =	vpop (xrf0)  }
0x93: {  	v8 =	vld [tilespmem:s26+$0xFFFFFFF0];
	(xrf0) =	vmax.scan.msk.u32 $0xffff, v18;
	v14 =	vxor.u32 $0x80000000, v14;
	[tilespmem:s25+$0x10] =	vst v16;
	v12, _, _ =	vpop (xrf0)  }
0x94: {  	(xrf0) =	vmax.scan.msk.u32 $0xffff, v15;
	v12 =	vxor.u32 $0x80000000, v12;
	[tilespmem:s25+$0x0] =	vst v14;
	v13, _, _ =	vpop (xrf0)  }
0x95: {  	_ = 	snop  }
.LBB2_20:
0x96: {  	v9 =	vxor.u32 $0x80000000, v9;
	_ =	sdelay $0x1  }
0x97: {  	v10 =	vxor.u32 $0x80000000, v10  }
0x98: {  	v11 =	vxor.u32 $0x80000000, v11;
	(xrf0) =	vmax.scan.msk.u32 $0xffff, v9;
	v9, _, _ =	vpop @p3 (xrf0)  }
0x99: {  	[tilespmem:s24+$0xFFFFFFE0] =	vst @p2 v12;
	s25 =	sadd.s32 @p2 $0x40, s25;
	s26 =	simm.s32 $0x2020;
	(xrf0) =	vmax.scan.msk.u32 $0xffff, v11;
	v12, _, _ =	vpop @p3 (xrf0)  }
0x9a: {  	s26 =	smov.u32 @p2 s25;
	v8 =	vxor.u32 $0x80000000, v8;
	(xrf0) =	vmax.scan.msk.u32 $0xffff, v10;
	v9 =	vxor.u32 @p3 $0x80000000, v9;
	v10, _, _ =	vpop @p3 (xrf0)  }
0x9b: {  	(xrf0) =	vmax.scan.msk.u32 $0xffff, v8;
	v8 =	vxor.u32 @p3 $0x80000000, v12;
	[tilespmem:s26+$0x10] =	vst @p3 v9;
	v9 =	vxor.u32 @p3 $0x80000000, v10;
	v10, _, _ =	vpop @p3 (xrf0)  }
0x9c: {  	v11 =	vxor.u32 @p2 $0x80000000, v13;
	[tilespmem:s26+$0x0] =	vst @p3 v8;
	v8 =	vpsel p3, v9, v0;
	v9 =	vpsel p3, v10, v0  }
0x9d: {  	[tilespmem:s24+$0xFFFFFFF0] =	vst @p2 v11;
	s24 =	smov.u32 @p3 s26  }
0x9e: {  	s24 =	smov.u32 @p3 s24  }
0x9f: {  	[tilespmem:s24+$0xFFFFFFE0] =	vst @p3 v8;
	v8 =	vxor.u32 @p3 $0x80000000, v9;
	v9, _, _ =	vpop (xrf0)  }
0xa0: {  	[tilespmem:s24+$0xFFFFFFF0] =	vst @p3 v8;
	v8 =	vxor.u32 $0x80000000, v9;
	v9, _, _ =	vpop (xrf0)  }
0xa1: {  	s25 =	sadd.s32 @p3 $0x40, s26;
	v9 =	vxor.u32 $0x80000000, v9  }
0xa2: {  	s23 =	smov.u32 @p3 s25  }
0xa3: {  	[tilespmem:s23+$0x10] =	vst v8;
	v8, _, _ =	vpop (xrf0)  }
0xa4: {  	[tilespmem:s23+$0x0] =	vst v9;
	v8 =	vxor.u32 $0x80000000, v8;
	v9, _, _ =	vpop (xrf0)  }
0xa5: {  	[tilespmem:s23+$0xFFFFFFE0] =	vst v8;
	v8 =	vxor.u32 $0x80000000, v9  }
0xa6: {  	[tilespmem:s23+$0xFFFFFFF0] =	vst v8  }
0xa7: {  	v8 =	vld.idx.msk [tilespmem:v1+s14+$0x0], $0xffff;
	_ =	sdelay $0x4  }
0xa8: {  	[tilespmem:$0x4200] =	vst v8  }
0xa9: {  	v8 =	vld.idx.msk [tilespmem:v2+s14+$0x0], $0xffff;
	_ =	sdelay $0x4  }
0xaa: {  	[tilespmem:$0x4210] =	vst v8;
	v8 =	vld [tilespmem:$0x4200]  }
0xab: {  	v9 =	vld [tilespmem:$0x4210];
	_ =	sdelay $0x4  }
0xac: {  	vm1 =	vgt.s32 v9, v8  }
0xad: {  	v8 =	vsel vm1, v9, v8  }
0xae: {  	v9 =	vxor.u32 $0x80000000, v8  }
0xaf: {  	(xrf0) =	vmax.scan.msk.u32 $0xffff, v9;
	_ =	sdelay $0x5  }
0xb0: {  	v9, _, _ =	vpop (xrf0)  }
0xb1: {  	(v2sf) =	vpush v9, $0xF;
	_ =	sdelay $0xe  }
0xb2: {  	s31 =	spop (v2sf)  }
0xb3: {  	s23 =	sxor.u32 $0x80000000, s31  }
0xb4: {  	vm2 =	veq.s32 v8, s23;
	v8 =	vsel vm1, v4, v3  }
0xb5: {  	v8 =	vnsel vm2, $0x8000001F, v8  }
0xb6: {  	(xrf0) =	vmin.scan.msk.u32 $0xffff, v8;
	_ =	sdelay $0x5  }
0xb7: {  	v8, _, _ =	vpop (xrf0)  }
0xb8: {  	(v2sf) =	vpush v8, $0xF;
	_ =	sdelay $0xe  }
0xb9: {  	s24 =	spop (v2sf)  }
0xba: {  	s25 =	sshll.u32 s24, $0x4  }
0xbb: {  	v8 =	vld [tilespmem:s25+$0x4000];
	_ =	sdelay $0x4  }
0xbc: {  	vm1 =	veq.s32 v8, s23  }
0xbd: {  	v9 =	vnsel vm1, $0x8000000F, v3  }
0xbe: {  	(xrf0) =	vmin.scan.msk.u32 $0xffff, v9;
	_ =	sdelay $0x5  }
0xbf: {  	v9, _, _ =	vpop (xrf0)  }
0xc0: {  	(v2sf) =	vpush v9, $0xF;
	_ =	sdelay $0xe  }
0xc1: {  	s0 =	spop (v2sf)  }
0xc2: {  	s28 =	sadd.s32 s0, s25  }
0xc3: {  	s28 =	sshll.u32 s28, $0x4  }
0xc4: {  	v9 =	vld [tilespmem:s28+$0x0];
	_ =	sdelay $0x4  }
0xc5: {  	vm1 =	veq.s32 v9, s23  }
0xc6: {  	v10 =	vnsel vm1, $0x8000000F, v3  }
0xc7: {  	(xrf0) =	vmin.scan.msk.u32 $0xffff, v10;
	_ =	sdelay $0x5  }
0xc8: {  	v10, _, _ =	vpop (xrf0)  }
0xc9: {  	(v2sf) =	vpush v10, $0xF;
	_ =	sdelay $0xe  }
0xca: {  	s29 =	spop (v2sf)  }
0xcb: {  	s29 =	sxor.u32 $0x80000000, s29  }
0xcc: {  	v10 =	vmov s29  }
0xcd: {  	vm1 =	veq.s32 v10, v0  }
0xce: {  	v9 =	vsel vm1, $0x80000000, v9  }
0xcf: {  	v10 =	vxor.u32 $0x80000000, v9  }
0xd0: {  	(xrf0) =	vmax.scan.msk.u32 $0xffff, v10;
	_ =	sdelay $0x5  }
0xd1: {  	v10, _, _ =	vpop (xrf0)  }
0xd2: {  	(v2sf) =	vpush v10, $0xF;
	_ =	sdelay $0xd  }
0xd3: {  	s26 =	sxor.u32 $0x80000000, s0  }
0xd4: {  	v10 =	vmov s26;
	s30 =	spop (v2sf)  }
0xd5: {  	vm1 =	veq.s32 v10, v0;
	s26 =	sxor.u32 $0x80000000, s30  }
0xd6: {  	v8 =	vsel vm1, s26, v8  }
0xd7: {  	v10 =	vxor.u32 $0x80000000, v8  }
0xd8: {  	(xrf0) =	vmax.scan.msk.u32 $0xffff, v10;
	_ =	sdelay $0x5  }
0xd9: {  	v10, _, _ =	vpop (xrf0)  }
0xda: {  	(v2sf) =	vpush v10, $0xF;
	_ =	sdelay $0x3  }
0xdb: {  	s31 =	sxor.u32 $0x80000000, s24  }
0xdc: {  	p5 =	sgt.s32 s24, $0xFFFFFFFF;
	p4 =	slt.s32 s31, $0x1;
	s30 =	sand.u32 $0xF, s24  }
0xdd: {  	p2 =	por p5, p4;
	s0 =	sshra.s32 s31, $0x1F;
	p6 =	sne.s32 s30, $0x0  }
0xde: {  	s24 =	sshrl.u32 s0, $0x1C;
	p2 =	por !p6, !p2  }
0xdf: {  	s24 =	sadd.s32 s24, s31;
	s30 =	simm.s32 $0x1;
	p2 =	por !p2, !p2  }
0xe0: {  	s24 =	sshrl.u32 s24, $0x4;
	s30 =	simm.s32 @!p2 $0x0  }
0xe1: {  	[tilespmem:s28+$0x0] =	vst v9;
	s24 =	ssub.s32 s24, s30  }
0xe2: {  	[tilespmem:s25+$0x4000] =	vst v8;
	s24 =	sshll.u32 s24, $0x4  }
0xe3: {  	v8 =	vld [tilespmem:s24+$0x4200];
	_ =	sdelay $0x1  }
0xe4: {  	s30 =	ssub.s32 s31, s24  }
0xe5: {  	v9 =	vmov s30;
	s31 =	spop (v2sf)  }
0xe6: {  	vm1 =	veq.s32 v9, v0;
	s25 =	sxor.u32 $0x80000000, s31  }
0xe7: {  	s0 =	simm.s32 $0x0;
	v8 =	vsel vm1, s25, v8  }
0xe8: {  	s26 =	sand.u32 $0x70, s0;
	s30 =	sand.u32 $0xF, s0;
	[tilespmem:s24+$0x4200] =	vst v8  }
0xe9: {  	v8 =	vmov s30;
	v9 =	vld [tilespmem:s26+$0x4300]  }
0xea: {  	vm1 =	veq.s32 v8, v0;
	v8 =	vld [tilespmem:s26+$0x4280];
	_ =	sdelay $0x1  }
0xeb: {  	s31 =	sadd.s32 s8, s29  }
0xec: {  	s25 =	sadd.s32 s28, s31  }
0xed: {  	s24 =	simm.s32 $0x1;
	v9 =	vsel vm1, s25, v9  }
.LBB2_21:
0xee: {  	p2 =	sne.s32 s24, $0x63;
	v8 =	vsel vm1, s23, v8;
	[tilespmem:s26+$0x4300] =	vst v9;
	s25 =	smov.u32 s24;
	s24 =	sadd.s32 $0x1, s24  }
0xef: {  	[tilespmem:s26+$0x4280] =	vst v8  }
0xf0: {  	v8 =	vld [tilespmem:$0x4200]  }
0xf1: {  	v9 =	vld [tilespmem:$0x4210];
	_ =	sdelay $0x4  }
0xf2: {  	vm1 =	vgt.s32 v9, v8  }
0xf3: {  	v8 =	vsel vm1, v9, v8  }
0xf4: {  	v9 =	vxor.u32 $0x80000000, v8  }
0xf5: {  	(xrf0) =	vmax.scan.msk.u32 $0xffff, v9;
	_ =	sdelay $0x5  }
0xf6: {  	v9, _, _ =	vpop (xrf0)  }
0xf7: {  	(v2sf) =	vpush v9, $0xF;
	_ =	sdelay $0xe  }
0xf8: {  	s23 =	spop (v2sf)  }
0xf9: {  	s23 =	sxor.u32 $0x80000000, s23  }
0xfa: {  	vm2 =	veq.s32 v8, s23;
	v8 =	vsel vm1, v4, v3  }
0xfb: {  	v8 =	vnsel vm2, $0x8000001F, v8  }
0xfc: {  	(xrf0) =	vmin.scan.msk.u32 $0xffff, v8;
	_ =	sdelay $0x5  }
0xfd: {  	v8, _, _ =	vpop (xrf0)  }
0xfe: {  	(v2sf) =	vpush v8, $0xF;
	_ =	sdelay $0xe  }
0xff: {  	s28 =	spop (v2sf)  }
0x100: {  	s26 =	sxor.u32 $0x80000000, s28;
	s29 =	sshll.u32 s28, $0x4;
	s30 =	sand.u32 $0xF, s28  }
0x101: {  	p4 =	sgt.s32 s28, $0xFFFFFFFF;
	v8 =	vld [tilespmem:s29+$0x4000];
	s31 =	sshra.s32 s26, $0x1F;
	p3 =	slt.s32 s26, $0x1  }
0x102: {  	s28 =	sshrl.u32 s31, $0x1C;
	p3 =	por p4, p3;
	p4 =	sne.s32 s30, $0x0  }
0x103: {  	s28 =	sadd.s32 s28, s26;
	p3 =	por !p4, !p3  }
0x104: {  	s30 =	simm.s32 $0x1;
	p3 =	por !p3, !p3  }
0x105: {  	s28 =	sshrl.u32 s28, $0x4;
	s30 =	simm.s32 @!p3 $0x0  }
0x106: {  	vm1 =	veq.s32 v8, s23;
	s28 =	ssub.s32 s28, s30  }
0x107: {  	v9 =	vnsel vm1, $0x8000000F, v3  }
0x108: {  	(xrf0) =	vmin.scan.msk.u32 $0xffff, v9;
	_ =	sdelay $0x5  }
0x109: {  	v9, _, _ =	vpop (xrf0)  }
0x10a: {  	(v2sf) =	vpush v9, $0xF;
	_ =	sdelay $0xe  }
0x10b: {  	s30 =	spop (v2sf)  }
0x10c: {  	s0 =	sxor.u32 $0x80000000, s30;
	s30 =	sadd.s32 s30, s29  }
0x10d: {  	s31 =	sshll.u32 s30, $0x4;
	v9 =	vmov s0  }
0x10e: {  	v10 =	vld [tilespmem:s31+$0x0];
	_ =	sdelay $0x4  }
0x10f: {  	vm1 =	veq.s32 v10, s23  }
0x110: {  	v11 =	vnsel vm1, $0x8000000F, v3  }
0x111: {  	(xrf0) =	vmin.scan.msk.u32 $0xffff, v11;
	_ =	sdelay $0x5  }
0x112: {  	v11, _, _ =	vpop (xrf0)  }
0x113: {  	(v2sf) =	vpush v11, $0xF;
	_ =	sdelay $0xe  }
0x114: {  	s0 =	spop (v2sf)  }
0x115: {  	s0 =	sxor.u32 $0x80000000, s0  }
0x116: {  	v11 =	vmov s0;
	s0 =	sadd.s32 s8, s0  }
0x117: {  	vm1 =	veq.s32 v11, v0;
	s30 =	sadd.s32 s31, s0  }
0x118: {  	v10 =	vsel vm1, $0x80000000, v10  }
0x119: {  	v11 =	vxor.u32 $0x80000000, v10  }
0x11a: {  	(xrf0) =	vmax.scan.msk.u32 $0xffff, v11;
	_ =	sdelay $0x5  }
0x11b: {  	v11, _, _ =	vpop (xrf0)  }
0x11c: {  	(v2sf) =	vpush v11, $0xF;
	_ =	sdelay $0xe  }
0x11d: {  	s0 =	spop (v2sf)  }
0x11e: {  	vm1 =	veq.s32 v9, v0;
	s0 =	sxor.u32 $0x80000000, s0  }
0x11f: {  	[tilespmem:s31+$0x0] =	vst v10;
	v8 =	vsel vm1, s0, v8  }
0x120: {  	[tilespmem:s29+$0x4000] =	vst v8;
	v8 =	vxor.u32 $0x80000000, v8  }
0x121: {  	(xrf0) =	vmax.scan.msk.u32 $0xffff, v8;
	_ =	sdelay $0x5  }
0x122: {  	v8, _, _ =	vpop (xrf0)  }
0x123: {  	(v2sf) =	vpush v8, $0xF;
	_ =	sdelay $0xa  }
0x124: {  	s0 =	sshll.u32 s28, $0x4  }
0x125: {  	s26 =	ssub.s32 s26, s0;
	v8 =	vld [tilespmem:s0+$0x4200]  }
0x126: {  	v9 =	vmov s26;
	_ =	sdelay $0x1  }
0x127: {  	s26 =	spop (v2sf)  }
0x128: {  	vm1 =	veq.s32 v9, v0;
	s26 =	sxor.u32 $0x80000000, s26  }
0x129: {  	v8 =	vsel vm1, s26, v8  }
0x12a: {  	s26 =	sand.u32 $0x70, s25;
	[tilespmem:s0+$0x4200] =	vst v8  }
0x12b: {  	v9 =	vld [tilespmem:s26+$0x4300]  }
.Ltmp13:
0x12c: {  	v8 =	vld [tilespmem:s26+$0x4280];
	(pc) =	sbr.rel @p2 .LBB2_21-.Ltmp13, $4  }
0x12d: {  	s0 =	sand.u32 $0xF, s25  }
0x12e: {  	v10 =	vmov s0  }
0x12f: {  	vm1 =	veq.s32 v10, v0  }
0x130: {  	v9 =	vsel vm1, s30, v9  }
.Ltmp14:
0x131: {  	_ = 	snop;
	(pc) =	sbr.rel .LBB2_22-.Ltmp14, $1  }
0x132: {  	_ =	sdelay $0x3  }
.LBB2_24:
0x133: {  	[tilespmem:s17], [sflag:$0x1] =	stream.linear.gather [spmem:s4], $0x800, $0x38;
	[tilespmem:$0x5680] =	vst v63  }
0x134: {  	_ =	swait.ge [sflag:s13], $0x800  }
0x135: {  	[sflag:s13] =	ssyncset.done $0x0  }
0x136: {  	[sflag:s13] =	ssyncadd.s32 $0xFFFFF800  }
0x137: {  	[tilespmem:s18], [sflag:$0x1] =	stream.linear.gather [spmem:s5], $0x800, $0x38;
	[tilespmem:$0x5680] =	vst v63  }
0x138: {  	_ =	swait.ge [sflag:s13], $0x800  }
0x139: {  	[sflag:s13] =	ssyncset.done $0x0  }
0x13a: {  	[sflag:s13] =	ssyncadd.s32 $0xFFFFF800  }
0x13b: {  	v9 =	vld.idx.msk [tilespmem:v7+s17+$0x0], $0xffff;
	_ =	sdelay $0x4  }
0x13c: {  	v8 =	vxor.u32 $0x80000000, v9  }
0x13d: {  	(xrf0) =	vmax.scan.msk.u32 $0xffff, v8;
	_ =	sdelay $0x5  }
0x13e: {  	v8, _, _ =	vpop (xrf0)  }
0x13f: {  	(v2sf) =	vpush v8, $0xF;
	_ =	sdelay $0xe  }
0x140: {  	s0 =	spop (v2sf)  }
0x141: {  	s0 =	sxor.u32 $0x80000000, s0  }
0x142: {  	vm1 =	veq.s32 v9, s0  }
0x143: {  	v8 =	vnsel vm1, $0x8000000F, v3  }
0x144: {  	(xrf0) =	vmin.scan.msk.u32 $0xffff, v8;
	_ =	sdelay $0x5  }
0x145: {  	v8, _, _ =	vpop (xrf0)  }
0x146: {  	(v2sf) =	vpush v8, $0xF;
	_ =	sdelay $0xe  }
0x147: {  	s23 =	spop (v2sf)  }
0x148: {  	s24 =	sxor.u32 $0x80000000, s23  }
0x149: {  	v8 =	vimm.s32 $0x0;
	v10 =	vmov s24  }
0x14a: {  	vm1 =	veq.s32 v10, v0;
	v10 =	vxor.u32 $0x80000000, v8  }
0x14b: {  	v10 =	vnsel vm1, $0x8000007E, v10  }
0x14c: {  	(xrf0) =	vmin.scan.msk.u32 $0xffff, v10;
	_ =	sdelay $0x5  }
0x14d: {  	v10, _, _ =	vpop (xrf0)  }
0x14e: {  	(v2sf) =	vpush v10, $0xF;
	_ =	sdelay $0xd  }
0x14f: {  	s25 =	simm.s32 $0x0  }
0x150: {  	s28 =	sand.u32 $0x70, s25;
	s30 =	spop (v2sf)  }
0x151: {  	v11 =	vld [tilespmem:s28+$0x5480];
	s24 =	sxor.u32 $0x80000000, s30  }
0x152: {  	p2 =	slt.s32 s24, $0x7E  }
0x153: {  	s25 =	sand.u32 $0xF, s25;
	s23 =	sshll.u32 s23, $0x7;
	s24 =	simm.s32 @!p2 $0x7E  }
0x154: {  	v13 =	vmov s25;
	v10 =	vld [tilespmem:s28+$0x5500];
	s23 =	sadd.s32 s23, s24  }
0x155: {  	vm2 =	veq.s32 v13, v0;
	v12 =	vld.msk [tilespmem:s23+$0x4481 ss:$0x0], $0xffff  }
0x156: {  	v13 =	vsel vm2, s0, v11;
	v11 =	vld.msk [tilespmem:s23+$0x4C80 ss:$0x0], $0xffff;
	_ =	sdelay $0x2  }
0x157: {  	s31 =	sadd.s32 $0x1, s24  }
0x158: {  	s24 =	simm.s32 $0x2;
	s23 =	simm.s32 $0x1;
	v8 =	vsel vm1, s31, v8;
	[tilespmem:s28+$0x5480] =	vst v13;
	v9 =	vsel vm1, v12, v9  }
.LBB2_25:
0x159: {  	p2 =	sne.s32 s24, $0x63;
	v12 =	vxor.u32 $0x80000000, v9;
	v10 =	vsel vm2, v11, v10;
	s25 =	smov.u32 s24;
	s24 =	sadd.s32 $0x1, s24  }
0x15a: {  	(xrf0) =	vmax.scan.msk.u32 $0xffff, v12;
	[tilespmem:s28+$0x5500] =	vst v10;
	_ =	sdelay $0x5  }
0x15b: {  	v10, _, _ =	vpop (xrf0)  }
0x15c: {  	(v2sf) =	vpush v10, $0xF;
	_ =	sdelay $0xe  }
0x15d: {  	s0 =	spop (v2sf)  }
0x15e: {  	s26 =	sxor.u32 $0x80000000, s0  }
0x15f: {  	vm1 =	veq.s32 v9, s26  }
0x160: {  	v10 =	vnsel vm1, $0x8000000F, v3  }
0x161: {  	(xrf0) =	vmin.scan.msk.u32 $0xffff, v10;
	_ =	sdelay $0x5  }
0x162: {  	v10, _, _ =	vpop (xrf0)  }
0x163: {  	(v2sf) =	vpush v10, $0xF;
	_ =	sdelay $0xe  }
0x164: {  	s0 =	spop (v2sf)  }
0x165: {  	s28 =	sxor.u32 $0x80000000, s0  }
0x166: {  	v10 =	vmov s28  }
0x167: {  	vm1 =	veq.s32 v10, v0;
	v10 =	vxor.u32 $0x80000000, v8  }
0x168: {  	v10 =	vnsel vm1, $0x8000007E, v10  }
0x169: {  	(xrf0) =	vmin.scan.msk.u32 $0xffff, v10;
	_ =	sdelay $0x5  }
0x16a: {  	v10, _, _ =	vpop (xrf0)  }
0x16b: {  	(v2sf) =	vpush v10, $0xF;
	_ =	sdelay $0xe  }
0x16c: {  	s28 =	sand.u32 $0x70, s23;
	s29 =	spop (v2sf)  }
0x16d: {  	s29 =	sxor.u32 $0x80000000, s29;
	v11 =	vld [tilespmem:s28+$0x5480]  }
0x16e: {  	p3 =	slt.s32 s29, $0x7E  }
0x16f: {  	s0 =	sshll.u32 s0, $0x7;
	s23 =	sand.u32 $0xF, s23;
	s29 =	simm.s32 @!p3 $0x7E  }
0x170: {  	v12 =	vmov s23;
	s23 =	smov.u32 s25;
	s0 =	sadd.s32 s0, s29;
	s29 =	sadd.s32 $0x1, s29;
	v10 =	vld [tilespmem:s28+$0x5500]  }
0x171: {  	vm2 =	veq.s32 v12, v0;
	v13 =	vld.msk [tilespmem:s0+$0x4481 ss:$0x0], $0xffff;
	v8 =	vsel vm1, s29, v8  }
0x172: {  	v12 =	vsel vm2, s26, v11;
	v11 =	vld.msk [tilespmem:s0+$0x4C80 ss:$0x0], $0xffff  }
.Ltmp15:
0x173: {  	[tilespmem:s28+$0x5480] =	vst v12;
	(pc) =	sbr.rel @p2 .LBB2_25-.Ltmp15, $2  }
0x174: {  	_ =	sdelay $0x2  }
0x175: {  	v9 =	vsel vm1, v13, v9  }
0x176: {  	v12 =	vxor.u32 $0x80000000, v9  }
0x177: {  	(xrf0) =	vmax.scan.msk.u32 $0xffff, v12;
	_ =	sdelay $0x5  }
0x178: {  	v12, _, _ =	vpop (xrf0)  }
0x179: {  	(v2sf) =	vpush v12, $0xF;
	_ =	sdelay $0xe  }
0x17a: {  	s0 =	spop (v2sf)  }
0x17b: {  	s0 =	sxor.u32 $0x80000000, s0  }
0x17c: {  	vm1 =	veq.s32 v9, s0  }
0x17d: {  	v9 =	vnsel vm1, $0x8000000F, v3  }
0x17e: {  	(xrf0) =	vmin.scan.msk.u32 $0xffff, v9;
	_ =	sdelay $0x5  }
0x17f: {  	v9, _, _ =	vpop (xrf0)  }
0x180: {  	(v2sf) =	vpush v9, $0xF;
	_ =	sdelay $0xe  }
0x181: {  	s24 =	spop (v2sf)  }
0x182: {  	s25 =	sxor.u32 $0x80000000, s24  }
0x183: {  	v40 =	vmov s25  }
0x184: {  	v8 =	vxor.u32 $0x80000000, v8;
	vm1 =	veq.s32 v40, v0  }
0x185: {  	v8 =	vnsel vm1, $0x8000007E, v8  }
0x186: {  	(xrf0) =	vmin.scan.msk.u32 $0xffff, v8;
	_ =	sdelay $0x5  }
0x187: {  	v8, _, _ =	vpop (xrf0)  }
0x188: {  	(v2sf) =	vpush v8, $0xF;
	_ =	sdelay $0xe  }
0x189: {  	s30 =	spop (v2sf)  }
0x18a: {  	v8 =	vsel vm2, v11, v10;
	s25 =	sxor.u32 $0x80000000, s30  }
0x18b: {  	s26 =	sand.u32 $0x70, s23;
	[tilespmem:s28+$0x5500] =	vst v8;
	p2 =	slt.s32 s25, $0x7E  }
0x18c: {  	s24 =	sshll.u32 s24, $0x7;
	v8 =	vld [tilespmem:s26+$0x5480];
	s25 =	simm.s32 @!p2 $0x7E  }
0x18d: {  	v41 =	vld [tilespmem:s26+$0x5500];
	s24 =	sadd.s32 s24, s25  }
0x18e: {  	v42 =	vld.msk [tilespmem:s24+$0x4C80 ss:$0x0], $0xffff  }
0x18f: {  	s31 =	sand.u32 $0xF, s23  }
0x190: {  	v43 =	vmov s31  }
0x191: {  	vm1 =	veq.s32 v43, v0  }
0x192: {  	v8 =	vsel vm1, s0, v8  }
0x193: {  	[tilespmem:s26+$0x5480] =	vst v8;
	v8 =	vsel vm1, v42, v41  }
0x194: {  	[tilespmem:s26+$0x5500] =	vst v8  }
0x195: {  	v8 =	vld [tilespmem:$0x5500]  }
0x196: {  	v44 =	vld [tilespmem:$0x5480]  }
0x197: {  	v45 =	vld [tilespmem:$0x5510]  }
0x198: {  	v46 =	vld [tilespmem:$0x5490]  }
0x199: {  	v47 =	vld [tilespmem:$0x5520]  }
0x19a: {  	v13 =	vld [tilespmem:$0x54A0]  }
0x19b: {  	v15 =	vld [tilespmem:$0x5530];
	v8 =	vshra.s32 v8, $0xE;
	v14 =	vxor.u32 $0x7FFFFFFF, v44;
	vm1 =	vlt.s32 v44, $0x0  }
0x19c: {  	v48 =	vld [tilespmem:$0x54B0];
	[tilespmem:$0x5580] =	vst v8;
	v8 =	vsel vm1, v14, v44  }
0x19d: {  	v50 =	vld [tilespmem:$0x5540];
	v49 =	vxor.u32 $0x7FFFFFFF, v46;
	vm1 =	vlt.s32 v46, $0x0;
	[tilespmem:$0x5600] =	vst v8;
	v8 =	vshra.s32 v45, $0xE  }
0x19e: {  	v51 =	vld [tilespmem:$0x54C0];
	[tilespmem:$0x5590] =	vst v8;
	v8 =	vsel vm1, v49, v46  }
0x19f: {  	v53 =	vld [tilespmem:$0x5550];
	v52 =	vxor.u32 $0x7FFFFFFF, v13;
	vm1 =	vlt.s32 v13, $0x0;
	[tilespmem:$0x5610] =	vst v8;
	v8 =	vshra.s32 v47, $0xE  }
0x1a0: {  	v54 =	vld [tilespmem:$0x54D0];
	[tilespmem:$0x55A0] =	vst v8;
	v8 =	vsel vm1, v52, v13  }
0x1a1: {  	v56 =	vld [tilespmem:$0x5560];
	v55 =	vxor.u32 $0x7FFFFFFF, v48;
	vm1 =	vlt.s32 v48, $0x0;
	[tilespmem:$0x5620] =	vst v8;
	v8 =	vshra.s32 v15, $0xE  }
0x1a2: {  	v57 =	vld [tilespmem:$0x54E0];
	[tilespmem:$0x55B0] =	vst v8;
	v8 =	vsel vm1, v55, v48  }
0x1a3: {  	v59 =	vld [tilespmem:$0x5570];
	v58 =	vxor.u32 $0x7FFFFFFF, v51;
	vm1 =	vlt.s32 v51, $0x0;
	[tilespmem:$0x5630] =	vst v8;
	v8 =	vshra.s32 v50, $0xE  }
0x1a4: {  	v60 =	vld [tilespmem:$0x54F0];
	[tilespmem:$0x55C0] =	vst v8;
	v8 =	vsel vm1, v58, v51  }
0x1a5: {  	v61 =	vxor.u32 $0x7FFFFFFF, v54;
	vm1 =	vlt.s32 v54, $0x0;
	[tilespmem:$0x5640] =	vst v8;
	v8 =	vshra.s32 v53, $0xE  }
0x1a6: {  	[tilespmem:$0x55D0] =	vst v8;
	v8 =	vsel vm1, v61, v54  }
0x1a7: {  	v62 =	vxor.u32 $0x7FFFFFFF, v57;
	vm1 =	vlt.s32 v57, $0x0;
	[tilespmem:$0x5650] =	vst v8;
	v8 =	vshra.s32 v56, $0xE  }
0x1a8: {  	[tilespmem:$0x55E0] =	vst v8;
	v8 =	vsel vm1, v62, v57  }
0x1a9: {  	v63 =	vxor.u32 $0x7FFFFFFF, v60;
	vm1 =	vlt.s32 v60, $0x0;
	[tilespmem:$0x5660] =	vst v8;
	v8 =	vshra.s32 v59, $0xE  }
0x1aa: {  	[tilespmem:$0x55F0] =	vst v8;
	v8 =	vsel vm1, v63, v60  }
0x1ab: {  	[tilespmem:$0x5670] =	vst v8  }
0x1ac: {  	[hbm4b:s1+s7] =	stream.linear.scatter [tilespmem:s19], [sflag:$0x1], $0x80, $0x38;
	[tilespmem:$0x5680] =	vst v63  }
0x1ad: {  	_ =	swait.ge [sflag:s13], $0x80  }
0x1ae: {  	[sflag:s13] =	ssyncset.done $0x0  }
0x1af: {  	[sflag:s13] =	ssyncadd.s32 $0xFFFFFF80  }
0x1b0: {  	[hbm4b:s2+s7] =	stream.linear.scatter [tilespmem:s20], [sflag:$0x1], $0x80, $0x38;
	[tilespmem:$0x5680] =	vst v63  }
0x1b1: {  	_ =	swait.ge [sflag:s13], $0x80  }
0x1b2: {  	[sflag:s13] =	ssyncset.done $0x0  }
.Ltmp16:
0x1b3: {  	[sflag:s13] =	ssyncadd.s32 $0xFFFFFF80;
	(pc) =	sbr.rel .LBB2_27-.Ltmp16, $4  }
0x1b4: {  	[hbm4b:s3+s7] =	stream.linear.scatter [tilespmem:s21], [sflag:$0x1], $0x80, $0x38;
	[tilespmem:$0x5680] =	vst v63  }
0x1b5: {  	_ =	swait.ge [sflag:s13], $0x80  }
0x1b6: {  	[sflag:s13] =	ssyncset.done $0x0  }
0x1b7: {  	[sflag:s13] =	ssyncadd.s32 $0xFFFFFF80  }
.LBB2_5:
.Ltmp17:
0x1b8: {  	(pc) =	sbr.rel .LBB2_12-.Ltmp17, $2  }
0x1b9: {  	_ =	sdelay $0x2  }
0x1ba: {  	s25 =	simm.s32 $0x4020;
	p5 =	por $0x0, $0x0  }
.LBB2_13:
.Ltmp18:
0x1bb: {  	(pc) =	sbr.rel .LBB2_20-.Ltmp18, $2  }
0x1bc: {  	_ =	sdelay $0x2  }
0x1bd: {  	s25 =	simm.s32 $0x2020;
	p3 =	por $0x0, $0x0  }
.LBB2_7:
.Ltmp19:
0x1be: {  	(pc) =	sbr.rel .LBB2_12-.Ltmp19, $2  }
0x1bf: {  	_ =	sdelay $0x2  }
0x1c0: {  	s25 =	simm.s32 $0x4020;
	p5 =	por $0x0, $0x0  }
.LBB2_15:
.Ltmp20:
0x1c1: {  	(pc) =	sbr.rel .LBB2_20-.Ltmp20, $2  }
0x1c2: {  	_ =	sdelay $0x2  }
0x1c3: {  	s25 =	simm.s32 $0x2020;
	v10 =	vmov v14  }
.LBB2_9:
.Ltmp21:
0x1c4: {  	_ = 	snop;
	(pc) =	sbr.rel .LBB2_12-.Ltmp21, $2  }
0x1c5: {  	_ =	sdelay $0x2  }
0x1c6: {  	s26 =	simm.s32 $0x4020;
	v13 =	vmov v14;
	v12 =	vmov v16  }
.LBB2_17:
.Ltmp22:
0x1c7: {  	(pc) =	sbr.rel .LBB2_20-.Ltmp22, $2  }
0x1c8: {  	_ =	sdelay $0x2  }
0x1c9: {  	s24 =	simm.s32 $0x2020;
	s25 =	simm.s32 $0x2020  }
.LBB2_28:
0x1ca: {  	_ =	sfence.sel $0x180000  }
0x1cb: {  	[bflag:$0x0] =	sbarrier.arrive $0xFFFF  }
0x1cc: {  	_ =	strace $0x90000047  }
0x1cd: {  	[bflag:$0x2] =	sbarrier.arrive $0xFFFF  }
0x1ce: {  	p0 =	sne.s32 s6, $0x0;
	s0 =	rddreg [dreg:$0x6]  }
0x1cf: {  	s0 =	sadd.s32 @!p0 $0x100000, s0  }
0x1d0: {  	[sflag:s0] =	ssyncadd.tile.s32 @!p0 $0x1;
	_ =	shalt  }
.Lfunc_end2:
_tile_overlayer_lowered:
.L_overlay_start_2:
0x1d1: {  	(tag) =	ssettag $0x2  }
0x1d2: {  	s0 =	rddreg [dreg:$0x0];
	s2 =	stileid.u32  }
0x1d3: {  	s1 =	rddreg [dreg:$0x1];
	p0 =	sne.s32 s2, $0x0  }
0x1d4: {  	s3 =	rddreg [dreg:$0x2];
	[bflag:$0x3] =	sbarrier.arrive $0xFFFF;
	s2 =	simm.s32 @!p0 $0x1C01  }
0x1d5: {  	[timem:s3], [sflag:s2] =	dma.local @!p0 [hbm:s0], s1  }
0x1d6: {  	s0 =	simm.s32 @!p0 $0x1  }
0x1d7: {  	_ =	swait.ge @!p0 [sflag:s0], s1  }
0x1d8: {  	s1 =	ssub.s32 @!p0 $0x0, s1;
	[sflag:s0] =	ssyncset.done @!p0 $0x0  }
0x1d9: {  	[sflag:s0] =	ssyncadd.s32 @!p0 s1  }
0x1da: {  	[bflag:$0x3] =	sbarrier.arrive $0xFFFF  }
0x1db: {  	_ =	shalt  }

</sc_bundles>
